<compile_context>
chip_gen: v7x
topology: tpu7x:2x2x1
jax: 0.10.2.dev20260603
libtpu: 0.0.44.dev20260713+nightly
codegen_flags: <defaults>
</compile_context>

<pallas_src>
import functools

import jax
import jax.numpy as jnp
from jax import lax
from jax.experimental import pallas as pl
from jax.experimental.pallas import tpu as pltpu
from jax.experimental.pallas import tpu_sc as plsc

N = 10000
E = 320000
D = 128
NTILES = 32
EPT = E // NTILES
CHUNK = 64
NFULL = EPT // CHUNK
TAIL = EPT - NFULL * CHUNK
NPAD = 10240
RPT = NPAD // 16


def _tc_pre(h_ref, wt_ref, ap_ref, z_ref, s_ref):
    z = jnp.dot(h_ref[...], wt_ref[...], preferred_element_type=jnp.float32)
    z_ref[...] = z
    s_ref[...] = jnp.dot(z, ap_ref[...], preferred_element_type=jnp.float32)


def _tc_post(acc_ref, den_ref, out_ref):
    p = acc_ref[0, :N] + acc_ref[1, :N]
    den = jnp.sum(den_ref[...], axis=0)[:, None]
    out_ref[...] = jnp.where(den > 0.0, p / den, 0.0)


def _sc_kernel(src_hbm, dst_hbm, s1_hbm, s2_hbm, z_hbm, zero_hbm, zero1_hbm,
               acc_out, den_out,
               s1_v, s2_v, den_v,
               src_idx0, dst_idx0, src_idx1, dst_idx1,
               src_idx_t, dst_idx_t,
               w_buf, rows0, rows1, sem0, sem1, acc_sh):
    cid = lax.axis_index("c")
    sid = lax.axis_index("s")
    g = sid * 2 + cid

    sidx = (src_idx0, src_idx1)
    didx = (dst_idx0, dst_idx1)
    rws = (rows0, rows1)
    sms = (sem0, sem1)

    pltpu.sync_copy(s1_hbm, s1_v)
    pltpu.sync_copy(s2_hbm, s2_v)
    pltpu.sync_copy(zero1_hbm, den_v)
    pltpu.sync_copy(zero_hbm.at[pl.ds(sid * RPT, RPT)],
                    acc_sh.at[pl.ds(sid * RPT, RPT)])
    plsc.subcore_barrier()

    ebase = g * EPT

    def fetch(b, c):
        eb = ebase + c * CHUNK
        pltpu.sync_copy(src_hbm.at[pl.ds(eb, CHUNK)], sidx[b])
        pltpu.sync_copy(dst_hbm.at[pl.ds(eb, CHUNK)], didx[b])
        pltpu.async_copy(z_hbm.at[sidx[b]], rws[b], sms[b])

    def logits(s_idx, d_idx, n):
        for k in range(n // 16):
            sv = s_idx[pl.ds(k * 16, 16)]
            dv = d_idx[pl.ds(k * 16, 16)]
            e = plsc.load_gather(s1_v, [sv]) + plsc.load_gather(s2_v, [dv])
            e = jnp.maximum(e, e * 0.01)
            w = jnp.exp(e)
            w_buf[pl.ds(k * 16, 16)] = w
            plsc.addupdate_scatter(den_v, [dv], w)

    def scale_rows(rows, n):
        def scale(i, carry):
            wv = plsc.load_gather(w_buf, [jnp.zeros((16,), jnp.int32) + i])
            for j in range(8):
                rows[i, pl.ds(j * 16, 16)] = rows[i, pl.ds(j * 16, 16)] * wv
            return carry
        lax.fori_loop(0, n, scale, 0, unroll=4)

    fetch(0, 0)

    @pl.loop(0, NFULL, step=2)
    def _(i):
        for b in range(2):
            c = i + b

            @pl.when(c < NFULL - 1)
            def _():
                fetch(1 - b, c + 1)

            logits(sidx[b], didx[b], CHUNK)
            pltpu.make_async_copy(z_hbm.at[sidx[b]], rws[b], sms[b]).wait()
            scale_rows(rws[b], CHUNK)
            pltpu.sync_copy(rws[b], acc_sh.at[didx[b]], add=True)

    eb = ebase + NFULL * CHUNK
    pltpu.sync_copy(src_hbm.at[pl.ds(eb, TAIL)], src_idx_t)
    pltpu.sync_copy(dst_hbm.at[pl.ds(eb, TAIL)], dst_idx_t)
    pltpu.async_copy(z_hbm.at[src_idx_t], rows0.at[pl.ds(0, TAIL)], sem0)
    logits(src_idx_t, dst_idx_t, TAIL)
    pltpu.make_async_copy(
        z_hbm.at[src_idx_t], rows0.at[pl.ds(0, TAIL)], sem0).wait()
    scale_rows(rows0, TAIL)
    pltpu.sync_copy(rows0.at[pl.ds(0, TAIL)], acc_sh.at[dst_idx_t], add=True)

    pltpu.sync_copy(den_v, den_out.at[g])
    plsc.subcore_barrier()
    pltpu.sync_copy(acc_sh.at[pl.ds(sid * RPT, RPT)],
                    acc_out.at[cid, pl.ds(sid * RPT, RPT)])


def kernel(h, edge_index, W, a_w):
    src = edge_index[0]
    dst = edge_index[1]
    wt = W.T
    ap = jnp.zeros((D, D), jnp.float32)
    ap = ap.at[:, 0].set(a_w[0, :D]).at[:, 1].set(a_w[0, D:])

    z, s = pl.pallas_call(
        _tc_pre,
        out_shape=(jax.ShapeDtypeStruct((N, D), jnp.float32),
                   jax.ShapeDtypeStruct((N, D), jnp.float32)),
    )(h, wt, ap)
    s1 = s[:, 0]
    s2 = s[:, 1]

    mesh = plsc.VectorSubcoreMesh(core_axis_name="c", subcore_axis_name="s")
    sc = pl.kernel(
        _sc_kernel,
        out_type=(jax.ShapeDtypeStruct((2, NPAD, D), jnp.float32),
                  jax.ShapeDtypeStruct((NTILES, N), jnp.float32)),
        mesh=mesh,
        compiler_params=pltpu.CompilerParams(needs_layout_passes=False),
        scratch_types=[
            pltpu.VMEM((N,), jnp.float32),
            pltpu.VMEM((N,), jnp.float32),
            pltpu.VMEM((N,), jnp.float32),
            pltpu.VMEM((CHUNK,), jnp.int32),
            pltpu.VMEM((CHUNK,), jnp.int32),
            pltpu.VMEM((CHUNK,), jnp.int32),
            pltpu.VMEM((CHUNK,), jnp.int32),
            pltpu.VMEM((TAIL,), jnp.int32),
            pltpu.VMEM((TAIL,), jnp.int32),
            pltpu.VMEM((CHUNK,), jnp.float32),
            pltpu.VMEM((CHUNK, D), jnp.float32),
            pltpu.VMEM((CHUNK, D), jnp.float32),
            pltpu.SemaphoreType.DMA,
            pltpu.SemaphoreType.DMA,
            pltpu.VMEM_SHARED((NPAD, D), jnp.float32),
        ],
    )
    zero = jnp.zeros((NPAD, D), jnp.float32)
    zero1 = jnp.zeros((N,), jnp.float32)
    acc, dens = sc(src, dst, s1, s2, z, zero, zero1)

    h_out = pl.pallas_call(
        _tc_post,
        out_shape=jax.ShapeDtypeStruct((N, D), jnp.float32),
    )(acc, dens)
    return h_out

# --- scband reference (transcript-rebuilt; emitter-appended) ---
"""Pipeline reference for scband-gatlayer-11424613007836 (READ-ONLY COPY).

The authoritative reference and input builder live on the scoring server;
editing this copy changes nothing except your own understanding.
"""

import jax, jax.numpy as jnp
import numpy as np

N = 10000
E = 320000
DIN = 128
DOUT = 128


def setup_inputs(seed: int = 0) -> dict:
    key = jax.random.key(seed)
    k1, k2, k3, k4 = jax.random.split(key, 4)
    h = jax.random.normal(k1, (N, DIN), dtype=jnp.float32)
    edge_index = jax.random.randint(k2, (2, E), 0, N, dtype=jnp.int32)
    # nn.Linear(in_dim, out_dim, bias=False) -> weight [out_dim, in_dim]
    W = jax.random.normal(k3, (DOUT, DIN), dtype=jnp.float32) / np.sqrt(DIN)
    # nn.Linear(2*out_dim, 1, bias=False) -> weight [1, 2*out_dim]
    a_w = jax.random.normal(k4, (1, 2 * DOUT), dtype=jnp.float32) / np.sqrt(2 * DOUT)
    return {"h": h, "edge_index": edge_index, "W": W, "a_w": a_w}


def reference(h, edge_index, W, a_w):
    src = edge_index[0]
    dst = edge_index[1]
    n = h.shape[0]
    # z = self.W(h)
    z = h @ W.T
    # edge attention: e = leaky_relu(a([z_src, z_dst]))
    z_src = jnp.take(z, src, axis=0)
    z_dst = jnp.take(z, dst, axis=0)
    e = jax.nn.leaky_relu(jnp.concatenate([z_src, z_dst], axis=1) @ a_w.T, negative_slope=0.01)  # [E, 1]
    # softmax over incoming edges per destination node (DGL mailbox softmax)
    m = jax.ops.segment_max(e, dst, num_segments=n)  # [N, 1]
    e_exp = jnp.exp(e - jnp.take(m, dst, axis=0))
    denom = jax.ops.segment_sum(e_exp, dst, num_segments=n)  # [N, 1]
    alpha = e_exp / jnp.take(denom, dst, axis=0)  # [E, 1]
    # h_out[dst] = sum_edges alpha * z_src
    h_out = jax.ops.segment_sum(alpha * z_src, dst, num_segments=n)  # [N, DOUT]
    return h_out

if __name__ == "__main__":
    import jax
    _d = setup_inputs()
    print(jax.jit(kernel)(*tuple(_d.values())))

</pallas_src>

<mosaic_0001>
#map = affine_map<(d0, d1) -> (0)>
#map1 = affine_map<(d0, d1) -> (0, 0)>
#map2 = affine_map<(d0, d1) -> (0, 0, 0)>
module attributes {stable_mosaic.version = 14 : i64} {
  func.func @_sc_kernel(%arg0: i32, %arg1: i32, %arg2: memref<320000xi32, #tpu.memory_space<hbm>>, %arg3: memref<320000xi32, #tpu.memory_space<hbm>>, %arg4: memref<10000xf32, #tpu.memory_space<hbm>>, %arg5: memref<10000xf32, #tpu.memory_space<hbm>>, %arg6: memref<10000x128xf32, #tpu.memory_space<hbm>>, %arg7: memref<10240x128xf32, #tpu.memory_space<hbm>>, %arg8: memref<10000xf32, #tpu.memory_space<hbm>>, %arg9: memref<2x10240x128xf32, #tpu.memory_space<hbm>>, %arg10: memref<32x10000xf32, #tpu.memory_space<hbm>>, %arg11: memref<10000xf32, #tpu.memory_space<vmem>>, %arg12: memref<10000xf32, #tpu.memory_space<vmem>>, %arg13: memref<10000xf32, #tpu.memory_space<vmem>>, %arg14: memref<64xi32, #tpu.memory_space<vmem>>, %arg15: memref<64xi32, #tpu.memory_space<vmem>>, %arg16: memref<64xi32, #tpu.memory_space<vmem>>, %arg17: memref<64xi32, #tpu.memory_space<vmem>>, %arg18: memref<16xi32, #tpu.memory_space<vmem>>, %arg19: memref<16xi32, #tpu.memory_space<vmem>>, %arg20: memref<64xf32, #tpu.memory_space<vmem>>, %arg21: memref<64x128xf32, #tpu.memory_space<vmem>>, %arg22: memref<64x128xf32, #tpu.memory_space<vmem>>, %arg23: memref<!tpu.dma_semaphore, #tpu.memory_space<semaphore_mem>>, %arg24: memref<!tpu.dma_semaphore, #tpu.memory_space<semaphore_mem>>, %arg25: memref<10240x128xf32, #tpu.memory_space<vmem_shared>>) attributes {dimension_semantics = [#tpu.dimension_semantics<core_parallel>, #tpu.dimension_semantics<subcore_parallel>], iteration_bounds = array<i64: 2, 16>, scalar_prefetch = 0 : i64, scratch_operands = 15 : i64, tpu.core_type = #tpu.core_type<sc_vector_subcore>, window_params = [{transform_indices = #map}, {transform_indices = #map}, {transform_indices = #map}, {transform_indices = #map}, {transform_indices = #map1}, {transform_indices = #map1}, {transform_indices = #map}, {transform_indices = #map2}, {transform_indices = #map1}]} {
    %mul3A = arith.constant 2 : i32
    %mul3A_0 = arith.muli %arg1, %mul3A : i32
    %add3A = arith.addi %mul3A_0, %arg0 : i32
    "tpu.region"() ({
      %run_scoped3A = tpu.sem_alloc : memref<!tpu.dma_semaphore, #tpu.memory_space<semaphore_mem>>
      tpu.enqueue_dma source(%arg4 : memref<10000xf32, #tpu.memory_space<hbm>>) target(%arg11 : memref<10000xf32, #tpu.memory_space<vmem>>) target_semaphore(%run_scoped3A : memref<!tpu.dma_semaphore, #tpu.memory_space<semaphore_mem>>)
      tpu.wait_dma2 semaphore(%run_scoped3A : memref<!tpu.dma_semaphore, #tpu.memory_space<semaphore_mem>>) src(%arg4 : memref<10000xf32, #tpu.memory_space<hbm>>) dst(%arg11 : memref<10000xf32, #tpu.memory_space<vmem>>)
      tpu.yield
    }) : () -> ()
    "tpu.region"() ({
      %run_scoped3A = tpu.sem_alloc : memref<!tpu.dma_semaphore, #tpu.memory_space<semaphore_mem>>
      tpu.enqueue_dma source(%arg5 : memref<10000xf32, #tpu.memory_space<hbm>>) target(%arg12 : memref<10000xf32, #tpu.memory_space<vmem>>) target_semaphore(%run_scoped3A : memref<!tpu.dma_semaphore, #tpu.memory_space<semaphore_mem>>)
      tpu.wait_dma2 semaphore(%run_scoped3A : memref<!tpu.dma_semaphore, #tpu.memory_space<semaphore_mem>>) src(%arg5 : memref<10000xf32, #tpu.memory_space<hbm>>) dst(%arg12 : memref<10000xf32, #tpu.memory_space<vmem>>)
      tpu.yield
    }) : () -> ()
    "tpu.region"() ({
      %run_scoped3A = tpu.sem_alloc : memref<!tpu.dma_semaphore, #tpu.memory_space<semaphore_mem>>
      tpu.enqueue_dma source(%arg8 : memref<10000xf32, #tpu.memory_space<hbm>>) target(%arg13 : memref<10000xf32, #tpu.memory_space<vmem>>) target_semaphore(%run_scoped3A : memref<!tpu.dma_semaphore, #tpu.memory_space<semaphore_mem>>)
      tpu.wait_dma2 semaphore(%run_scoped3A : memref<!tpu.dma_semaphore, #tpu.memory_space<semaphore_mem>>) src(%arg8 : memref<10000xf32, #tpu.memory_space<hbm>>) dst(%arg13 : memref<10000xf32, #tpu.memory_space<vmem>>)
      tpu.yield
    }) : () -> ()
    %mul3A_1 = arith.constant 640 : i32
    %mul3A_2 = arith.muli %arg1, %mul3A_1 : i32
    %mul3A_3 = arith.constant 640 : i32
    %mul3A_4 = arith.muli %arg1, %mul3A_3 : i32
    "tpu.region"() ({
      %run_scoped3A = tpu.sem_alloc : memref<!tpu.dma_semaphore, #tpu.memory_space<semaphore_mem>>
      %dma_start3A_48 = arith.constant 0 : i32
      %dma_start3A_49 = tpu.memref_slice %arg25[%mul3A_4, %dma_start3A_48] : memref<10240x128xf32, #tpu.memory_space<vmem_shared>> -> memref<640x128xf32, #tpu.memory_space<vmem_shared>>
      %dma_start3A_50 = arith.constant 0 : i32
      %dma_start3A_51 = tpu.memref_slice %arg7[%mul3A_2, %dma_start3A_50] : memref<10240x128xf32, #tpu.memory_space<hbm>> -> memref<640x128xf32, #tpu.memory_space<hbm>>
      tpu.enqueue_dma source(%dma_start3A_51 : memref<640x128xf32, #tpu.memory_space<hbm>>) target(%dma_start3A_49 : memref<640x128xf32, #tpu.memory_space<vmem_shared>>) target_semaphore(%run_scoped3A : memref<!tpu.dma_semaphore, #tpu.memory_space<semaphore_mem>>)
      %dma_wait3A_52 = arith.constant 0 : i32
      %dma_wait3A_53 = tpu.memref_slice %arg25[%mul3A_4, %dma_wait3A_52] : memref<10240x128xf32, #tpu.memory_space<vmem_shared>> -> memref<640x128xf32, #tpu.memory_space<vmem_shared>>
      %dma_wait3A_54 = arith.constant 0 : i32
      %dma_wait3A_55 = tpu.memref_slice %arg7[%mul3A_2, %dma_wait3A_54] : memref<10240x128xf32, #tpu.memory_space<hbm>> -> memref<640x128xf32, #tpu.memory_space<hbm>>
      tpu.wait_dma2 semaphore(%run_scoped3A : memref<!tpu.dma_semaphore, #tpu.memory_space<semaphore_mem>>) src(%dma_wait3A_55 : memref<640x128xf32, #tpu.memory_space<hbm>>) dst(%dma_wait3A_53 : memref<640x128xf32, #tpu.memory_space<vmem_shared>>)
      tpu.yield
    }) : () -> ()
    %barrier3A = arith.constant 0 : index
    tpu.barrier barrier_id(%barrier3A)
    %mul3A_5 = arith.constant 10000 : i32
    %mul3A_6 = arith.muli %add3A, %mul3A_5 : i32
    %add3A_7 = arith.constant 0 : i32
    %add3A_8 = arith.addi %mul3A_6, %add3A_7 : i32
    "tpu.region"() ({
      %run_scoped3A = tpu.sem_alloc : memref<!tpu.dma_semaphore, #tpu.memory_space<semaphore_mem>>
      %dma_start3A_48 = tpu.memref_slice %arg2[%add3A_8] : memref<320000xi32, #tpu.memory_space<hbm>> -> memref<64xi32, #tpu.memory_space<hbm>>
      %dma_start3A_49 = tpu.memref_slice %arg2[%add3A_8] : memref<320000xi32, #tpu.memory_space<hbm>> -> memref<64xi32, #tpu.memory_space<hbm>>
      tpu.enqueue_dma source(%dma_start3A_49 : memref<64xi32, #tpu.memory_space<hbm>>) target(%arg14 : memref<64xi32, #tpu.memory_space<vmem>>) target_semaphore(%run_scoped3A : memref<!tpu.dma_semaphore, #tpu.memory_space<semaphore_mem>>)
      %dma_wait3A_50 = tpu.memref_slice %arg2[%add3A_8] : memref<320000xi32, #tpu.memory_space<hbm>> -> memref<64xi32, #tpu.memory_space<hbm>>
      %dma_wait3A_51 = tpu.memref_slice %arg2[%add3A_8] : memref<320000xi32, #tpu.memory_space<hbm>> -> memref<64xi32, #tpu.memory_space<hbm>>
      tpu.wait_dma2 semaphore(%run_scoped3A : memref<!tpu.dma_semaphore, #tpu.memory_space<semaphore_mem>>) src(%dma_wait3A_51 : memref<64xi32, #tpu.memory_space<hbm>>) dst(%arg14 : memref<64xi32, #tpu.memory_space<vmem>>)
      tpu.yield
    }) : () -> ()
    "tpu.region"() ({
      %run_scoped3A = tpu.sem_alloc : memref<!tpu.dma_semaphore, #tpu.memory_space<semaphore_mem>>
      %dma_start3A_48 = tpu.memref_slice %arg3[%add3A_8] : memref<320000xi32, #tpu.memory_space<hbm>> -> memref<64xi32, #tpu.memory_space<hbm>>
      %dma_start3A_49 = tpu.memref_slice %arg3[%add3A_8] : memref<320000xi32, #tpu.memory_space<hbm>> -> memref<64xi32, #tpu.memory_space<hbm>>
      tpu.enqueue_dma source(%dma_start3A_49 : memref<64xi32, #tpu.memory_space<hbm>>) target(%arg15 : memref<64xi32, #tpu.memory_space<vmem>>) target_semaphore(%run_scoped3A : memref<!tpu.dma_semaphore, #tpu.memory_space<semaphore_mem>>)
      %dma_wait3A_50 = tpu.memref_slice %arg3[%add3A_8] : memref<320000xi32, #tpu.memory_space<hbm>> -> memref<64xi32, #tpu.memory_space<hbm>>
      %dma_wait3A_51 = tpu.memref_slice %arg3[%add3A_8] : memref<320000xi32, #tpu.memory_space<hbm>> -> memref<64xi32, #tpu.memory_space<hbm>>
      tpu.wait_dma2 semaphore(%run_scoped3A : memref<!tpu.dma_semaphore, #tpu.memory_space<semaphore_mem>>) src(%dma_wait3A_51 : memref<64xi32, #tpu.memory_space<hbm>>) dst(%arg15 : memref<64xi32, #tpu.memory_space<vmem>>)
      tpu.yield
    }) : () -> ()
    %dma_start3A = arith.constant 0 : i32
    %dma_start3A_9 = arith.constant 0 : i32
    %dma_start3A_10 = tpu.memref_slice %arg6[%dma_start3A, %dma_start3A_9] : memref<10000x128xf32, #tpu.memory_space<hbm>> -> memref<10000x128xf32, #tpu.memory_space<hbm>>
    tpu.enqueue_indirect_dma source(%dma_start3A_10 : memref<10000x128xf32, #tpu.memory_space<hbm>>) target(%arg21 : memref<64x128xf32, #tpu.memory_space<vmem>>) offsets(%arg14 : memref<64xi32, #tpu.memory_space<vmem>>) semaphore(%arg23 : memref<!tpu.dma_semaphore, #tpu.memory_space<semaphore_mem>>)
    %scan3A = arith.constant 0 : i32
    %scan3A_11 = arith.constant 78 : i32
    %scan3A_12 = arith.addi %scan3A, %scan3A_11 : i32
    %scan3A_13 = arith.constant 1 : i32
    scf.for %scan3A_48 = %scan3A to %scan3A_12 step %scan3A_13  : i32 {
      %mul3A_49 = arith.constant 2 : i32
      %mul3A_50 = arith.muli %scan3A_48, %mul3A_49 : i32
      %add3A_51 = arith.constant 0 : i32
      %add3A_52 = arith.addi %add3A_51, %mul3A_50 : i32
      %add3A_53 = arith.constant 0 : i32
      %add3A_54 = arith.addi %add3A_52, %add3A_53 : i32
      %lt3A = arith.constant 155 : i32
      %lt3A_55 = arith.cmpi slt, %add3A_54, %lt3A : i32
      %convert_element_type3A = arith.extui %lt3A_55 : i1 to i32
      %cond3A = arith.constant 0 : i32
      %cond3A_56 = arith.cmpi ne, %convert_element_type3A, %cond3A : i32
      scf.if %cond3A_56 {
        %add3A_194 = arith.constant 1 : i32
        %add3A_195 = arith.addi %add3A_54, %add3A_194 : i32
        %mul3A_196 = arith.constant 64 : i32
        %mul3A_197 = arith.muli %add3A_195, %mul3A_196 : i32
        %add3A_198 = arith.addi %mul3A_6, %mul3A_197 : i32
        "tpu.region"() ({
          %run_scoped3A = tpu.sem_alloc : memref<!tpu.dma_semaphore, #tpu.memory_space<semaphore_mem>>
          %dma_start3A_202 = tpu.memref_slice %arg2[%add3A_198] : memref<320000xi32, #tpu.memory_space<hbm>> -> memref<64xi32, #tpu.memory_space<hbm>>
          %dma_start3A_203 = tpu.memref_slice %arg2[%add3A_198] : memref<320000xi32, #tpu.memory_space<hbm>> -> memref<64xi32, #tpu.memory_space<hbm>>
          tpu.enqueue_dma source(%dma_start3A_203 : memref<64xi32, #tpu.memory_space<hbm>>) target(%arg16 : memref<64xi32, #tpu.memory_space<vmem>>) target_semaphore(%run_scoped3A : memref<!tpu.dma_semaphore, #tpu.memory_space<semaphore_mem>>)
          %dma_wait3A_204 = tpu.memref_slice %arg2[%add3A_198] : memref<320000xi32, #tpu.memory_space<hbm>> -> memref<64xi32, #tpu.memory_space<hbm>>
          %dma_wait3A_205 = tpu.memref_slice %arg2[%add3A_198] : memref<320000xi32, #tpu.memory_space<hbm>> -> memref<64xi32, #tpu.memory_space<hbm>>
          tpu.wait_dma2 semaphore(%run_scoped3A : memref<!tpu.dma_semaphore, #tpu.memory_space<semaphore_mem>>) src(%dma_wait3A_205 : memref<64xi32, #tpu.memory_space<hbm>>) dst(%arg16 : memref<64xi32, #tpu.memory_space<vmem>>)
          tpu.yield
        }) : () -> ()
        "tpu.region"() ({
          %run_scoped3A = tpu.sem_alloc : memref<!tpu.dma_semaphore, #tpu.memory_space<semaphore_mem>>
          %dma_start3A_202 = tpu.memref_slice %arg3[%add3A_198] : memref<320000xi32, #tpu.memory_space<hbm>> -> memref<64xi32, #tpu.memory_space<hbm>>
          %dma_start3A_203 = tpu.memref_slice %arg3[%add3A_198] : memref<320000xi32, #tpu.memory_space<hbm>> -> memref<64xi32, #tpu.memory_space<hbm>>
          tpu.enqueue_dma source(%dma_start3A_203 : memref<64xi32, #tpu.memory_space<hbm>>) target(%arg17 : memref<64xi32, #tpu.memory_space<vmem>>) target_semaphore(%run_scoped3A : memref<!tpu.dma_semaphore, #tpu.memory_space<semaphore_mem>>)
          %dma_wait3A_204 = tpu.memref_slice %arg3[%add3A_198] : memref<320000xi32, #tpu.memory_space<hbm>> -> memref<64xi32, #tpu.memory_space<hbm>>
          %dma_wait3A_205 = tpu.memref_slice %arg3[%add3A_198] : memref<320000xi32, #tpu.memory_space<hbm>> -> memref<64xi32, #tpu.memory_space<hbm>>
          tpu.wait_dma2 semaphore(%run_scoped3A : memref<!tpu.dma_semaphore, #tpu.memory_space<semaphore_mem>>) src(%dma_wait3A_205 : memref<64xi32, #tpu.memory_space<hbm>>) dst(%arg17 : memref<64xi32, #tpu.memory_space<vmem>>)
          tpu.yield
        }) : () -> ()
        %dma_start3A_199 = arith.constant 0 : i32
        %dma_start3A_200 = arith.constant 0 : i32
        %dma_start3A_201 = tpu.memref_slice %arg6[%dma_start3A_199, %dma_start3A_200] : memref<10000x128xf32, #tpu.memory_space<hbm>> -> memref<10000x128xf32, #tpu.memory_space<hbm>>
        tpu.enqueue_indirect_dma source(%dma_start3A_201 : memref<10000x128xf32, #tpu.memory_space<hbm>>) target(%arg22 : memref<64x128xf32, #tpu.memory_space<vmem>>) offsets(%arg16 : memref<64xi32, #tpu.memory_space<vmem>>) semaphore(%arg24 : memref<!tpu.dma_semaphore, #tpu.memory_space<semaphore_mem>>)
      } else {
      }
      %get3A_57 = arith.constant 0 : index
      %get3A_58 = tpu.vector_load %arg14[%get3A_57] {strides = array<i32>} : memref<64xi32, #tpu.memory_space<vmem>>, vector<16xi32>,
      %get3A_59 = arith.constant 0 : index
      %get3A_60 = tpu.vector_load %arg15[%get3A_59] {strides = array<i32>} : memref<64xi32, #tpu.memory_space<vmem>>, vector<16xi32>,
      %gather3A_61 = tpu.vector_load_idx %arg11[%get3A_58] : memref<10000xf32, #tpu.memory_space<vmem>>[vector<16xi32>], vector<16xf32>,
      %gather3A_62 = tpu.vector_load_idx %arg12[%get3A_60] : memref<10000xf32, #tpu.memory_space<vmem>>[vector<16xi32>], vector<16xf32>,
      %add3A_63 = arith.addf %gather3A_61, %gather3A_62 : vector<16xf32>
      %mul3A_64 = arith.constant 0.00999999977 : f32
      %mul3A_65 = vector.broadcast %mul3A_64 : f32 to vector<16xf32>
      %mul3A_66 = arith.mulf %add3A_63, %mul3A_65 : vector<16xf32>
      %max3A_67 = arith.maximumf %add3A_63, %mul3A_66 : vector<16xf32>
      %exp3A_68 = math.exp %max3A_67 : vector<16xf32>
      %swap3A_69 = arith.constant 0 : index
      %swap3A_70 = tpu.vector_load %arg20[%swap3A_69] {strides = array<i32>} : memref<64xf32, #tpu.memory_space<vmem>>, vector<16xf32>,
      tpu.vector_store %arg20[%swap3A_69], %exp3A_68 {strides = array<i32>} : memref<64xf32, #tpu.memory_space<vmem>>, vector<16xf32>,
      tpu.vector_store_idx %arg13[%get3A_60], %exp3A_68 {add = true} : memref<10000xf32, #tpu.memory_space<vmem>>[vector<16xi32>], vector<16xf32>,
      %get3A_71 = arith.constant 16 : index
      %get3A_72 = tpu.vector_load %arg14[%get3A_71] {strides = array<i32>} : memref<64xi32, #tpu.memory_space<vmem>>, vector<16xi32>,
      %get3A_73 = arith.constant 16 : index
      %get3A_74 = tpu.vector_load %arg15[%get3A_73] {strides = array<i32>} : memref<64xi32, #tpu.memory_space<vmem>>, vector<16xi32>,
      %gather3A_75 = tpu.vector_load_idx %arg11[%get3A_72] : memref<10000xf32, #tpu.memory_space<vmem>>[vector<16xi32>], vector<16xf32>,
      %gather3A_76 = tpu.vector_load_idx %arg12[%get3A_74] : memref<10000xf32, #tpu.memory_space<vmem>>[vector<16xi32>], vector<16xf32>,
      %add3A_77 = arith.addf %gather3A_75, %gather3A_76 : vector<16xf32>
      %mul3A_78 = arith.constant 0.00999999977 : f32
      %mul3A_79 = vector.broadcast %mul3A_78 : f32 to vector<16xf32>
      %mul3A_80 = arith.mulf %add3A_77, %mul3A_79 : vector<16xf32>
      %max3A_81 = arith.maximumf %add3A_77, %mul3A_80 : vector<16xf32>
      %exp3A_82 = math.exp %max3A_81 : vector<16xf32>
      %swap3A_83 = arith.constant 16 : index
      %swap3A_84 = tpu.vector_load %arg20[%swap3A_83] {strides = array<i32>} : memref<64xf32, #tpu.memory_space<vmem>>, vector<16xf32>,
      tpu.vector_store %arg20[%swap3A_83], %exp3A_82 {strides = array<i32>} : memref<64xf32, #tpu.memory_space<vmem>>, vector<16xf32>,
      tpu.vector_store_idx %arg13[%get3A_74], %exp3A_82 {add = true} : memref<10000xf32, #tpu.memory_space<vmem>>[vector<16xi32>], vector<16xf32>,
      %get3A_85 = arith.constant 32 : index
      %get3A_86 = tpu.vector_load %arg14[%get3A_85] {strides = array<i32>} : memref<64xi32, #tpu.memory_space<vmem>>, vector<16xi32>,
      %get3A_87 = arith.constant 32 : index
      %get3A_88 = tpu.vector_load %arg15[%get3A_87] {strides = array<i32>} : memref<64xi32, #tpu.memory_space<vmem>>, vector<16xi32>,
      %gather3A_89 = tpu.vector_load_idx %arg11[%get3A_86] : memref<10000xf32, #tpu.memory_space<vmem>>[vector<16xi32>], vector<16xf32>,
      %gather3A_90 = tpu.vector_load_idx %arg12[%get3A_88] : memref<10000xf32, #tpu.memory_space<vmem>>[vector<16xi32>], vector<16xf32>,
      %add3A_91 = arith.addf %gather3A_89, %gather3A_90 : vector<16xf32>
      %mul3A_92 = arith.constant 0.00999999977 : f32
      %mul3A_93 = vector.broadcast %mul3A_92 : f32 to vector<16xf32>
      %mul3A_94 = arith.mulf %add3A_91, %mul3A_93 : vector<16xf32>
      %max3A_95 = arith.maximumf %add3A_91, %mul3A_94 : vector<16xf32>
      %exp3A_96 = math.exp %max3A_95 : vector<16xf32>
      %swap3A_97 = arith.constant 32 : index
      %swap3A_98 = tpu.vector_load %arg20[%swap3A_97] {strides = array<i32>} : memref<64xf32, #tpu.memory_space<vmem>>, vector<16xf32>,
      tpu.vector_store %arg20[%swap3A_97], %exp3A_96 {strides = array<i32>} : memref<64xf32, #tpu.memory_space<vmem>>, vector<16xf32>,
      tpu.vector_store_idx %arg13[%get3A_88], %exp3A_96 {add = true} : memref<10000xf32, #tpu.memory_space<vmem>>[vector<16xi32>], vector<16xf32>,
      %get3A_99 = arith.constant 48 : index
      %get3A_100 = tpu.vector_load %arg14[%get3A_99] {strides = array<i32>} : memref<64xi32, #tpu.memory_space<vmem>>, vector<16xi32>,
      %get3A_101 = arith.constant 48 : index
      %get3A_102 = tpu.vector_load %arg15[%get3A_101] {strides = array<i32>} : memref<64xi32, #tpu.memory_space<vmem>>, vector<16xi32>,
      %gather3A_103 = tpu.vector_load_idx %arg11[%get3A_100] : memref<10000xf32, #tpu.memory_space<vmem>>[vector<16xi32>], vector<16xf32>,
      %gather3A_104 = tpu.vector_load_idx %arg12[%get3A_102] : memref<10000xf32, #tpu.memory_space<vmem>>[vector<16xi32>], vector<16xf32>,
      %add3A_105 = arith.addf %gather3A_103, %gather3A_104 : vector<16xf32>
      %mul3A_106 = arith.constant 0.00999999977 : f32
      %mul3A_107 = vector.broadcast %mul3A_106 : f32 to vector<16xf32>
      %mul3A_108 = arith.mulf %add3A_105, %mul3A_107 : vector<16xf32>
      %max3A_109 = arith.maximumf %add3A_105, %mul3A_108 : vector<16xf32>
      %exp3A_110 = math.exp %max3A_109 : vector<16xf32>
      %swap3A_111 = arith.constant 48 : index
      %swap3A_112 = tpu.vector_load %arg20[%swap3A_111] {strides = array<i32>} : memref<64xf32, #tpu.memory_space<vmem>>, vector<16xf32>,
      tpu.vector_store %arg20[%swap3A_111], %exp3A_110 {strides = array<i32>} : memref<64xf32, #tpu.memory_space<vmem>>, vector<16xf32>,
      tpu.vector_store_idx %arg13[%get3A_102], %exp3A_110 {add = true} : memref<10000xf32, #tpu.memory_space<vmem>>[vector<16xi32>], vector<16xf32>,
      %dma_wait3A_113 = arith.constant 0 : i32
      %dma_wait3A_114 = arith.constant 0 : i32
      %dma_wait3A_115 = tpu.memref_slice %arg6[%dma_wait3A_113, %dma_wait3A_114] : memref<10000x128xf32, #tpu.memory_space<hbm>> -> memref<10000x128xf32, #tpu.memory_space<hbm>>
      tpu.wait_indirect_dma semaphore(%arg23 : memref<!tpu.dma_semaphore, #tpu.memory_space<semaphore_mem>>) src(%dma_wait3A_115 : memref<10000x128xf32, #tpu.memory_space<hbm>>) dst(%arg21 : memref<64x128xf32, #tpu.memory_space<vmem>>)
      %scan3A_116 = arith.constant 0 : i32
      %scan3A_117 = arith.constant 0 : i32
      %scan3A_118 = arith.constant 64 : i32
      %scan3A_119 = arith.addi %scan3A_117, %scan3A_118 : i32
      %scan3A_120 = arith.constant 4 : i32
      scf.for %scan3A_194 = %scan3A_117 to %scan3A_119 step %scan3A_120  : i32 {
        %broadcast_in_dim3A = arith.constant 0 : i32
        %broadcast_in_dim3A_195 = vector.broadcast %broadcast_in_dim3A : i32 to vector<16xi32>
        %add3A_196 = vector.broadcast %scan3A_194 : i32 to vector<16xi32>
        %add3A_197 = arith.addi %broadcast_in_dim3A_195, %add3A_196 : vector<16xi32>
        %gather3A_198 = tpu.vector_load_idx %arg20[%add3A_197] : memref<64xf32, #tpu.memory_space<vmem>>[vector<16xi32>], vector<16xf32>,
        %get3A_199 = arith.index_cast %scan3A_194 : i32 to index
        %get3A_200 = arith.constant 0 : index
        %get3A_201 = tpu.vector_load %arg21[%get3A_199, %get3A_200] {strides = array<i32>} : memref<64x128xf32, #tpu.memory_space<vmem>>, vector<16xf32>,
        %mul3A_202 = arith.mulf %get3A_201, %gather3A_198 : vector<16xf32>
        %swap3A_203 = arith.index_cast %scan3A_194 : i32 to index
        %swap3A_204 = arith.constant 0 : index
        %swap3A_205 = tpu.vector_load %arg21[%swap3A_203, %swap3A_204] {strides = array<i32>} : memref<64x128xf32, #tpu.memory_space<vmem>>, vector<16xf32>,
        tpu.vector_store %arg21[%swap3A_203, %swap3A_204], %mul3A_202 {strides = array<i32>} : memref<64x128xf32, #tpu.memory_space<vmem>>, vector<16xf32>,
        %get3A_206 = arith.index_cast %scan3A_194 : i32 to index
        %get3A_207 = arith.constant 16 : index
        %get3A_208 = tpu.vector_load %arg21[%get3A_206, %get3A_207] {strides = array<i32>} : memref<64x128xf32, #tpu.memory_space<vmem>>, vector<16xf32>,
        %mul3A_209 = arith.mulf %get3A_208, %gather3A_198 : vector<16xf32>
        %swap3A_210 = arith.index_cast %scan3A_194 : i32 to index
        %swap3A_211 = arith.constant 16 : index
        %swap3A_212 = tpu.vector_load %arg21[%swap3A_210, %swap3A_211] {strides = array<i32>} : memref<64x128xf32, #tpu.memory_space<vmem>>, vector<16xf32>,
        tpu.vector_store %arg21[%swap3A_210, %swap3A_211], %mul3A_209 {strides = array<i32>} : memref<64x128xf32, #tpu.memory_space<vmem>>, vector<16xf32>,
        %get3A_213 = arith.index_cast %scan3A_194 : i32 to index
        %get3A_214 = arith.constant 32 : index
        %get3A_215 = tpu.vector_load %arg21[%get3A_213, %get3A_214] {strides = array<i32>} : memref<64x128xf32, #tpu.memory_space<vmem>>, vector<16xf32>,
        %mul3A_216 = arith.mulf %get3A_215, %gather3A_198 : vector<16xf32>
        %swap3A_217 = arith.index_cast %scan3A_194 : i32 to index
        %swap3A_218 = arith.constant 32 : index
        %swap3A_219 = tpu.vector_load %arg21[%swap3A_217, %swap3A_218] {strides = array<i32>} : memref<64x128xf32, #tpu.memory_space<vmem>>, vector<16xf32>,
        tpu.vector_store %arg21[%swap3A_217, %swap3A_218], %mul3A_216 {strides = array<i32>} : memref<64x128xf32, #tpu.memory_space<vmem>>, vector<16xf32>,
        %get3A_220 = arith.index_cast %scan3A_194 : i32 to index
        %get3A_221 = arith.constant 48 : index
        %get3A_222 = tpu.vector_load %arg21[%get3A_220, %get3A_221] {strides = array<i32>} : memref<64x128xf32, #tpu.memory_space<vmem>>, vector<16xf32>,
        %mul3A_223 = arith.mulf %get3A_222, %gather3A_198 : vector<16xf32>
        %swap3A_224 = arith.index_cast %scan3A_194 : i32 to index
        %swap3A_225 = arith.constant 48 : index
        %swap3A_226 = tpu.vector_load %arg21[%swap3A_224, %swap3A_225] {strides = array<i32>} : memref<64x128xf32, #tpu.memory_space<vmem>>, vector<16xf32>,
        tpu.vector_store %arg21[%swap3A_224, %swap3A_225], %mul3A_223 {strides = array<i32>} : memref<64x128xf32, #tpu.memory_space<vmem>>, vector<16xf32>,
        %get3A_227 = arith.index_cast %scan3A_194 : i32 to index
        %get3A_228 = arith.constant 64 : index
        %get3A_229 = tpu.vector_load %arg21[%get3A_227, %get3A_228] {strides = array<i32>} : memref<64x128xf32, #tpu.memory_space<vmem>>, vector<16xf32>,
        %mul3A_230 = arith.mulf %get3A_229, %gather3A_198 : vector<16xf32>
        %swap3A_231 = arith.index_cast %scan3A_194 : i32 to index
        %swap3A_232 = arith.constant 64 : index
        %swap3A_233 = tpu.vector_load %arg21[%swap3A_231, %swap3A_232] {strides = array<i32>} : memref<64x128xf32, #tpu.memory_space<vmem>>, vector<16xf32>,
        tpu.vector_store %arg21[%swap3A_231, %swap3A_232], %mul3A_230 {strides = array<i32>} : memref<64x128xf32, #tpu.memory_space<vmem>>, vector<16xf32>,
        %get3A_234 = arith.index_cast %scan3A_194 : i32 to index
        %get3A_235 = arith.constant 80 : index
        %get3A_236 = tpu.vector_load %arg21[%get3A_234, %get3A_235] {strides = array<i32>} : memref<64x128xf32, #tpu.memory_space<vmem>>, vector<16xf32>,
        %mul3A_237 = arith.mulf %get3A_236, %gather3A_198 : vector<16xf32>
        %swap3A_238 = arith.index_cast %scan3A_194 : i32 to index
        %swap3A_239 = arith.constant 80 : index
        %swap3A_240 = tpu.vector_load %arg21[%swap3A_238, %swap3A_239] {strides = array<i32>} : memref<64x128xf32, #tpu.memory_space<vmem>>, vector<16xf32>,
        tpu.vector_store %arg21[%swap3A_238, %swap3A_239], %mul3A_237 {strides = array<i32>} : memref<64x128xf32, #tpu.memory_space<vmem>>, vector<16xf32>,
        %get3A_241 = arith.index_cast %scan3A_194 : i32 to index
        %get3A_242 = arith.constant 96 : index
        %get3A_243 = tpu.vector_load %arg21[%get3A_241, %get3A_242] {strides = array<i32>} : memref<64x128xf32, #tpu.memory_space<vmem>>, vector<16xf32>,
        %mul3A_244 = arith.mulf %get3A_243, %gather3A_198 : vector<16xf32>
        %swap3A_245 = arith.index_cast %scan3A_194 : i32 to index
        %swap3A_246 = arith.constant 96 : index
        %swap3A_247 = tpu.vector_load %arg21[%swap3A_245, %swap3A_246] {strides = array<i32>} : memref<64x128xf32, #tpu.memory_space<vmem>>, vector<16xf32>,
        tpu.vector_store %arg21[%swap3A_245, %swap3A_246], %mul3A_244 {strides = array<i32>} : memref<64x128xf32, #tpu.memory_space<vmem>>, vector<16xf32>,
        %get3A_248 = arith.index_cast %scan3A_194 : i32 to index
        %get3A_249 = arith.constant 112 : index
        %get3A_250 = tpu.vector_load %arg21[%get3A_248, %get3A_249] {strides = array<i32>} : memref<64x128xf32, #tpu.memory_space<vmem>>, vector<16xf32>,
        %mul3A_251 = arith.mulf %get3A_250, %gather3A_198 : vector<16xf32>
        %swap3A_252 = arith.index_cast %scan3A_194 : i32 to index
        %swap3A_253 = arith.constant 112 : index
        %swap3A_254 = tpu.vector_load %arg21[%swap3A_252, %swap3A_253] {strides = array<i32>} : memref<64x128xf32, #tpu.memory_space<vmem>>, vector<16xf32>,
        tpu.vector_store %arg21[%swap3A_252, %swap3A_253], %mul3A_251 {strides = array<i32>} : memref<64x128xf32, #tpu.memory_space<vmem>>, vector<16xf32>,
        %scan3A_255 = arith.constant 1 : i32
        %scan3A_256 = arith.addi %scan3A_194, %scan3A_255 : i32
        %broadcast_in_dim3A_257 = arith.constant 0 : i32
        %broadcast_in_dim3A_258 = vector.broadcast %broadcast_in_dim3A_257 : i32 to vector<16xi32>
        %add3A_259 = vector.broadcast %scan3A_256 : i32 to vector<16xi32>
        %add3A_260 = arith.addi %broadcast_in_dim3A_258, %add3A_259 : vector<16xi32>
        %gather3A_261 = tpu.vector_load_idx %arg20[%add3A_260] : memref<64xf32, #tpu.memory_space<vmem>>[vector<16xi32>], vector<16xf32>,
        %get3A_262 = arith.index_cast %scan3A_256 : i32 to index
        %get3A_263 = arith.constant 0 : index
        %get3A_264 = tpu.vector_load %arg21[%get3A_262, %get3A_263] {strides = array<i32>} : memref<64x128xf32, #tpu.memory_space<vmem>>, vector<16xf32>,
        %mul3A_265 = arith.mulf %get3A_264, %gather3A_261 : vector<16xf32>
        %swap3A_266 = arith.index_cast %scan3A_256 : i32 to index
        %swap3A_267 = arith.constant 0 : index
        %swap3A_268 = tpu.vector_load %arg21[%swap3A_266, %swap3A_267] {strides = array<i32>} : memref<64x128xf32, #tpu.memory_space<vmem>>, vector<16xf32>,
        tpu.vector_store %arg21[%swap3A_266, %swap3A_267], %mul3A_265 {strides = array<i32>} : memref<64x128xf32, #tpu.memory_space<vmem>>, vector<16xf32>,
        %get3A_269 = arith.index_cast %scan3A_256 : i32 to index
        %get3A_270 = arith.constant 16 : index
        %get3A_271 = tpu.vector_load %arg21[%get3A_269, %get3A_270] {strides = array<i32>} : memref<64x128xf32, #tpu.memory_space<vmem>>, vector<16xf32>,
        %mul3A_272 = arith.mulf %get3A_271, %gather3A_261 : vector<16xf32>
        %swap3A_273 = arith.index_cast %scan3A_256 : i32 to index
        %swap3A_274 = arith.constant 16 : index
        %swap3A_275 = tpu.vector_load %arg21[%swap3A_273, %swap3A_274] {strides = array<i32>} : memref<64x128xf32, #tpu.memory_space<vmem>>, vector<16xf32>,
        tpu.vector_store %arg21[%swap3A_273, %swap3A_274], %mul3A_272 {strides = array<i32>} : memref<64x128xf32, #tpu.memory_space<vmem>>, vector<16xf32>,
        %get3A_276 = arith.index_cast %scan3A_256 : i32 to index
        %get3A_277 = arith.constant 32 : index
        %get3A_278 = tpu.vector_load %arg21[%get3A_276, %get3A_277] {strides = array<i32>} : memref<64x128xf32, #tpu.memory_space<vmem>>, vector<16xf32>,
        %mul3A_279 = arith.mulf %get3A_278, %gather3A_261 : vector<16xf32>
        %swap3A_280 = arith.index_cast %scan3A_256 : i32 to index
        %swap3A_281 = arith.constant 32 : index
        %swap3A_282 = tpu.vector_load %arg21[%swap3A_280, %swap3A_281] {strides = array<i32>} : memref<64x128xf32, #tpu.memory_space<vmem>>, vector<16xf32>,
        tpu.vector_store %arg21[%swap3A_280, %swap3A_281], %mul3A_279 {strides = array<i32>} : memref<64x128xf32, #tpu.memory_space<vmem>>, vector<16xf32>,
        %get3A_283 = arith.index_cast %scan3A_256 : i32 to index
        %get3A_284 = arith.constant 48 : index
        %get3A_285 = tpu.vector_load %arg21[%get3A_283, %get3A_284] {strides = array<i32>} : memref<64x128xf32, #tpu.memory_space<vmem>>, vector<16xf32>,
        %mul3A_286 = arith.mulf %get3A_285, %gather3A_261 : vector<16xf32>
        %swap3A_287 = arith.index_cast %scan3A_256 : i32 to index
        %swap3A_288 = arith.constant 48 : index
        %swap3A_289 = tpu.vector_load %arg21[%swap3A_287, %swap3A_288] {strides = array<i32>} : memref<64x128xf32, #tpu.memory_space<vmem>>, vector<16xf32>,
        tpu.vector_store %arg21[%swap3A_287, %swap3A_288], %mul3A_286 {strides = array<i32>} : memref<64x128xf32, #tpu.memory_space<vmem>>, vector<16xf32>,
        %get3A_290 = arith.index_cast %scan3A_256 : i32 to index
        %get3A_291 = arith.constant 64 : index
        %get3A_292 = tpu.vector_load %arg21[%get3A_290, %get3A_291] {strides = array<i32>} : memref<64x128xf32, #tpu.memory_space<vmem>>, vector<16xf32>,
        %mul3A_293 = arith.mulf %get3A_292, %gather3A_261 : vector<16xf32>
        %swap3A_294 = arith.index_cast %scan3A_256 : i32 to index
        %swap3A_295 = arith.constant 64 : index
        %swap3A_296 = tpu.vector_load %arg21[%swap3A_294, %swap3A_295] {strides = array<i32>} : memref<64x128xf32, #tpu.memory_space<vmem>>, vector<16xf32>,
        tpu.vector_store %arg21[%swap3A_294, %swap3A_295], %mul3A_293 {strides = array<i32>} : memref<64x128xf32, #tpu.memory_space<vmem>>, vector<16xf32>,
        %get3A_297 = arith.index_cast %scan3A_256 : i32 to index
        %get3A_298 = arith.constant 80 : index
        %get3A_299 = tpu.vector_load %arg21[%get3A_297, %get3A_298] {strides = array<i32>} : memref<64x128xf32, #tpu.memory_space<vmem>>, vector<16xf32>,
        %mul3A_300 = arith.mulf %get3A_299, %gather3A_261 : vector<16xf32>
        %swap3A_301 = arith.index_cast %scan3A_256 : i32 to index
        %swap3A_302 = arith.constant 80 : index
        %swap3A_303 = tpu.vector_load %arg21[%swap3A_301, %swap3A_302] {strides = array<i32>} : memref<64x128xf32, #tpu.memory_space<vmem>>, vector<16xf32>,
        tpu.vector_store %arg21[%swap3A_301, %swap3A_302], %mul3A_300 {strides = array<i32>} : memref<64x128xf32, #tpu.memory_space<vmem>>, vector<16xf32>,
        %get3A_304 = arith.index_cast %scan3A_256 : i32 to index
        %get3A_305 = arith.constant 96 : index
        %get3A_306 = tpu.vector_load %arg21[%get3A_304, %get3A_305] {strides = array<i32>} : memref<64x128xf32, #tpu.memory_space<vmem>>, vector<16xf32>,
        %mul3A_307 = arith.mulf %get3A_306, %gather3A_261 : vector<16xf32>
        %swap3A_308 = arith.index_cast %scan3A_256 : i32 to index
        %swap3A_309 = arith.constant 96 : index
        %swap3A_310 = tpu.vector_load %arg21[%swap3A_308, %swap3A_309] {strides = array<i32>} : memref<64x128xf32, #tpu.memory_space<vmem>>, vector<16xf32>,
        tpu.vector_store %arg21[%swap3A_308, %swap3A_309], %mul3A_307 {strides = array<i32>} : memref<64x128xf32, #tpu.memory_space<vmem>>, vector<16xf32>,
        %get3A_311 = arith.index_cast %scan3A_256 : i32 to index
        %get3A_312 = arith.constant 112 : index
        %get3A_313 = tpu.vector_load %arg21[%get3A_311, %get3A_312] {strides = array<i32>} : memref<64x128xf32, #tpu.memory_space<vmem>>, vector<16xf32>,
        %mul3A_314 = arith.mulf %get3A_313, %gather3A_261 : vector<16xf32>
        %swap3A_315 = arith.index_cast %scan3A_256 : i32 to index
        %swap3A_316 = arith.constant 112 : index
        %swap3A_317 = tpu.vector_load %arg21[%swap3A_315, %swap3A_316] {strides = array<i32>} : memref<64x128xf32, #tpu.memory_space<vmem>>, vector<16xf32>,
        tpu.vector_store %arg21[%swap3A_315, %swap3A_316], %mul3A_314 {strides = array<i32>} : memref<64x128xf32, #tpu.memory_space<vmem>>, vector<16xf32>,
        %scan3A_318 = arith.constant 2 : i32
        %scan3A_319 = arith.addi %scan3A_194, %scan3A_318 : i32
        %broadcast_in_dim3A_320 = arith.constant 0 : i32
        %broadcast_in_dim3A_321 = vector.broadcast %broadcast_in_dim3A_320 : i32 to vector<16xi32>
        %add3A_322 = vector.broadcast %scan3A_319 : i32 to vector<16xi32>
        %add3A_323 = arith.addi %broadcast_in_dim3A_321, %add3A_322 : vector<16xi32>
        %gather3A_324 = tpu.vector_load_idx %arg20[%add3A_323] : memref<64xf32, #tpu.memory_space<vmem>>[vector<16xi32>], vector<16xf32>,
        %get3A_325 = arith.index_cast %scan3A_319 : i32 to index
        %get3A_326 = arith.constant 0 : index
        %get3A_327 = tpu.vector_load %arg21[%get3A_325, %get3A_326] {strides = array<i32>} : memref<64x128xf32, #tpu.memory_space<vmem>>, vector<16xf32>,
        %mul3A_328 = arith.mulf %get3A_327, %gather3A_324 : vector<16xf32>
        %swap3A_329 = arith.index_cast %scan3A_319 : i32 to index
        %swap3A_330 = arith.constant 0 : index
        %swap3A_331 = tpu.vector_load %arg21[%swap3A_329, %swap3A_330] {strides = array<i32>} : memref<64x128xf32, #tpu.memory_space<vmem>>, vector<16xf32>,
        tpu.vector_store %arg21[%swap3A_329, %swap3A_330], %mul3A_328 {strides = array<i32>} : memref<64x128xf32, #tpu.memory_space<vmem>>, vector<16xf32>,
        %get3A_332 = arith.index_cast %scan3A_319 : i32 to index
        %get3A_333 = arith.constant 16 : index
        %get3A_334 = tpu.vector_load %arg21[%get3A_332, %get3A_333] {strides = array<i32>} : memref<64x128xf32, #tpu.memory_space<vmem>>, vector<16xf32>,
        %mul3A_335 = arith.mulf %get3A_334, %gather3A_324 : vector<16xf32>
        %swap3A_336 = arith.index_cast %scan3A_319 : i32 to index
        %swap3A_337 = arith.constant 16 : index
        %swap3A_338 = tpu.vector_load %arg21[%swap3A_336, %swap3A_337] {strides = array<i32>} : memref<64x128xf32, #tpu.memory_space<vmem>>, vector<16xf32>,
        tpu.vector_store %arg21[%swap3A_336, %swap3A_337], %mul3A_335 {strides = array<i32>} : memref<64x128xf32, #tpu.memory_space<vmem>>, vector<16xf32>,
        %get3A_339 = arith.index_cast %scan3A_319 : i32 to index
        %get3A_340 = arith.constant 32 : index
        %get3A_341 = tpu.vector_load %arg21[%get3A_339, %get3A_340] {strides = array<i32>} : memref<64x128xf32, #tpu.memory_space<vmem>>, vector<16xf32>,
        %mul3A_342 = arith.mulf %get3A_341, %gather3A_324 : vector<16xf32>
        %swap3A_343 = arith.index_cast %scan3A_319 : i32 to index
        %swap3A_344 = arith.constant 32 : index
        %swap3A_345 = tpu.vector_load %arg21[%swap3A_343, %swap3A_344] {strides = array<i32>} : memref<64x128xf32, #tpu.memory_space<vmem>>, vector<16xf32>,
        tpu.vector_store %arg21[%swap3A_343, %swap3A_344], %mul3A_342 {strides = array<i32>} : memref<64x128xf32, #tpu.memory_space<vmem>>, vector<16xf32>,
        %get3A_346 = arith.index_cast %scan3A_319 : i32 to index
        %get3A_347 = arith.constant 48 : index
        %get3A_348 = tpu.vector_load %arg21[%get3A_346, %get3A_347] {strides = array<i32>} : memref<64x128xf32, #tpu.memory_space<vmem>>, vector<16xf32>,
        %mul3A_349 = arith.mulf %get3A_348, %gather3A_324 : vector<16xf32>
        %swap3A_350 = arith.index_cast %scan3A_319 : i32 to index
        %swap3A_351 = arith.constant 48 : index
        %swap3A_352 = tpu.vector_load %arg21[%swap3A_350, %swap3A_351] {strides = array<i32>} : memref<64x128xf32, #tpu.memory_space<vmem>>, vector<16xf32>,
        tpu.vector_store %arg21[%swap3A_350, %swap3A_351], %mul3A_349 {strides = array<i32>} : memref<64x128xf32, #tpu.memory_space<vmem>>, vector<16xf32>,
        %get3A_353 = arith.index_cast %scan3A_319 : i32 to index
        %get3A_354 = arith.constant 64 : index
        %get3A_355 = tpu.vector_load %arg21[%get3A_353, %get3A_354] {strides = array<i32>} : memref<64x128xf32, #tpu.memory_space<vmem>>, vector<16xf32>,
        %mul3A_356 = arith.mulf %get3A_355, %gather3A_324 : vector<16xf32>
        %swap3A_357 = arith.index_cast %scan3A_319 : i32 to index
        %swap3A_358 = arith.constant 64 : index
        %swap3A_359 = tpu.vector_load %arg21[%swap3A_357, %swap3A_358] {strides = array<i32>} : memref<64x128xf32, #tpu.memory_space<vmem>>, vector<16xf32>,
        tpu.vector_store %arg21[%swap3A_357, %swap3A_358], %mul3A_356 {strides = array<i32>} : memref<64x128xf32, #tpu.memory_space<vmem>>, vector<16xf32>,
        %get3A_360 = arith.index_cast %scan3A_319 : i32 to index
        %get3A_361 = arith.constant 80 : index
        %get3A_362 = tpu.vector_load %arg21[%get3A_360, %get3A_361] {strides = array<i32>} : memref<64x128xf32, #tpu.memory_space<vmem>>, vector<16xf32>,
        %mul3A_363 = arith.mulf %get3A_362, %gather3A_324 : vector<16xf32>
        %swap3A_364 = arith.index_cast %scan3A_319 : i32 to index
        %swap3A_365 = arith.constant 80 : index
        %swap3A_366 = tpu.vector_load %arg21[%swap3A_364, %swap3A_365] {strides = array<i32>} : memref<64x128xf32, #tpu.memory_space<vmem>>, vector<16xf32>,
        tpu.vector_store %arg21[%swap3A_364, %swap3A_365], %mul3A_363 {strides = array<i32>} : memref<64x128xf32, #tpu.memory_space<vmem>>, vector<16xf32>,
        %get3A_367 = arith.index_cast %scan3A_319 : i32 to index
        %get3A_368 = arith.constant 96 : index
        %get3A_369 = tpu.vector_load %arg21[%get3A_367, %get3A_368] {strides = array<i32>} : memref<64x128xf32, #tpu.memory_space<vmem>>, vector<16xf32>,
        %mul3A_370 = arith.mulf %get3A_369, %gather3A_324 : vector<16xf32>
        %swap3A_371 = arith.index_cast %scan3A_319 : i32 to index
        %swap3A_372 = arith.constant 96 : index
        %swap3A_373 = tpu.vector_load %arg21[%swap3A_371, %swap3A_372] {strides = array<i32>} : memref<64x128xf32, #tpu.memory_space<vmem>>, vector<16xf32>,
        tpu.vector_store %arg21[%swap3A_371, %swap3A_372], %mul3A_370 {strides = array<i32>} : memref<64x128xf32, #tpu.memory_space<vmem>>, vector<16xf32>,
        %get3A_374 = arith.index_cast %scan3A_319 : i32 to index
        %get3A_375 = arith.constant 112 : index
        %get3A_376 = tpu.vector_load %arg21[%get3A_374, %get3A_375] {strides = array<i32>} : memref<64x128xf32, #tpu.memory_space<vmem>>, vector<16xf32>,
        %mul3A_377 = arith.mulf %get3A_376, %gather3A_324 : vector<16xf32>
        %swap3A_378 = arith.index_cast %scan3A_319 : i32 to index
        %swap3A_379 = arith.constant 112 : index
        %swap3A_380 = tpu.vector_load %arg21[%swap3A_378, %swap3A_379] {strides = array<i32>} : memref<64x128xf32, #tpu.memory_space<vmem>>, vector<16xf32>,
        tpu.vector_store %arg21[%swap3A_378, %swap3A_379], %mul3A_377 {strides = array<i32>} : memref<64x128xf32, #tpu.memory_space<vmem>>, vector<16xf32>,
        %scan3A_381 = arith.constant 3 : i32
        %scan3A_382 = arith.addi %scan3A_194, %scan3A_381 : i32
        %broadcast_in_dim3A_383 = arith.constant 0 : i32
        %broadcast_in_dim3A_384 = vector.broadcast %broadcast_in_dim3A_383 : i32 to vector<16xi32>
        %add3A_385 = vector.broadcast %scan3A_382 : i32 to vector<16xi32>
        %add3A_386 = arith.addi %broadcast_in_dim3A_384, %add3A_385 : vector<16xi32>
        %gather3A_387 = tpu.vector_load_idx %arg20[%add3A_386] : memref<64xf32, #tpu.memory_space<vmem>>[vector<16xi32>], vector<16xf32>,
        %get3A_388 = arith.index_cast %scan3A_382 : i32 to index
        %get3A_389 = arith.constant 0 : index
        %get3A_390 = tpu.vector_load %arg21[%get3A_388, %get3A_389] {strides = array<i32>} : memref<64x128xf32, #tpu.memory_space<vmem>>, vector<16xf32>,
        %mul3A_391 = arith.mulf %get3A_390, %gather3A_387 : vector<16xf32>
        %swap3A_392 = arith.index_cast %scan3A_382 : i32 to index
        %swap3A_393 = arith.constant 0 : index
        %swap3A_394 = tpu.vector_load %arg21[%swap3A_392, %swap3A_393] {strides = array<i32>} : memref<64x128xf32, #tpu.memory_space<vmem>>, vector<16xf32>,
        tpu.vector_store %arg21[%swap3A_392, %swap3A_393], %mul3A_391 {strides = array<i32>} : memref<64x128xf32, #tpu.memory_space<vmem>>, vector<16xf32>,
        %get3A_395 = arith.index_cast %scan3A_382 : i32 to index
        %get3A_396 = arith.constant 16 : index
        %get3A_397 = tpu.vector_load %arg21[%get3A_395, %get3A_396] {strides = array<i32>} : memref<64x128xf32, #tpu.memory_space<vmem>>, vector<16xf32>,
        %mul3A_398 = arith.mulf %get3A_397, %gather3A_387 : vector<16xf32>
        %swap3A_399 = arith.index_cast %scan3A_382 : i32 to index
        %swap3A_400 = arith.constant 16 : index
        %swap3A_401 = tpu.vector_load %arg21[%swap3A_399, %swap3A_400] {strides = array<i32>} : memref<64x128xf32, #tpu.memory_space<vmem>>, vector<16xf32>,
        tpu.vector_store %arg21[%swap3A_399, %swap3A_400], %mul3A_398 {strides = array<i32>} : memref<64x128xf32, #tpu.memory_space<vmem>>, vector<16xf32>,
        %get3A_402 = arith.index_cast %scan3A_382 : i32 to index
        %get3A_403 = arith.constant 32 : index
        %get3A_404 = tpu.vector_load %arg21[%get3A_402, %get3A_403] {strides = array<i32>} : memref<64x128xf32, #tpu.memory_space<vmem>>, vector<16xf32>,
        %mul3A_405 = arith.mulf %get3A_404, %gather3A_387 : vector<16xf32>
        %swap3A_406 = arith.index_cast %scan3A_382 : i32 to index
        %swap3A_407 = arith.constant 32 : index
        %swap3A_408 = tpu.vector_load %arg21[%swap3A_406, %swap3A_407] {strides = array<i32>} : memref<64x128xf32, #tpu.memory_space<vmem>>, vector<16xf32>,
        tpu.vector_store %arg21[%swap3A_406, %swap3A_407], %mul3A_405 {strides = array<i32>} : memref<64x128xf32, #tpu.memory_space<vmem>>, vector<16xf32>,
        %get3A_409 = arith.index_cast %scan3A_382 : i32 to index
        %get3A_410 = arith.constant 48 : index
        %get3A_411 = tpu.vector_load %arg21[%get3A_409, %get3A_410] {strides = array<i32>} : memref<64x128xf32, #tpu.memory_space<vmem>>, vector<16xf32>,
        %mul3A_412 = arith.mulf %get3A_411, %gather3A_387 : vector<16xf32>
        %swap3A_413 = arith.index_cast %scan3A_382 : i32 to index
        %swap3A_414 = arith.constant 48 : index
        %swap3A_415 = tpu.vector_load %arg21[%swap3A_413, %swap3A_414] {strides = array<i32>} : memref<64x128xf32, #tpu.memory_space<vmem>>, vector<16xf32>,
        tpu.vector_store %arg21[%swap3A_413, %swap3A_414], %mul3A_412 {strides = array<i32>} : memref<64x128xf32, #tpu.memory_space<vmem>>, vector<16xf32>,
        %get3A_416 = arith.index_cast %scan3A_382 : i32 to index
        %get3A_417 = arith.constant 64 : index
        %get3A_418 = tpu.vector_load %arg21[%get3A_416, %get3A_417] {strides = array<i32>} : memref<64x128xf32, #tpu.memory_space<vmem>>, vector<16xf32>,
        %mul3A_419 = arith.mulf %get3A_418, %gather3A_387 : vector<16xf32>
        %swap3A_420 = arith.index_cast %scan3A_382 : i32 to index
        %swap3A_421 = arith.constant 64 : index
        %swap3A_422 = tpu.vector_load %arg21[%swap3A_420, %swap3A_421] {strides = array<i32>} : memref<64x128xf32, #tpu.memory_space<vmem>>, vector<16xf32>,
        tpu.vector_store %arg21[%swap3A_420, %swap3A_421], %mul3A_419 {strides = array<i32>} : memref<64x128xf32, #tpu.memory_space<vmem>>, vector<16xf32>,
        %get3A_423 = arith.index_cast %scan3A_382 : i32 to index
        %get3A_424 = arith.constant 80 : index
        %get3A_425 = tpu.vector_load %arg21[%get3A_423, %get3A_424] {strides = array<i32>} : memref<64x128xf32, #tpu.memory_space<vmem>>, vector<16xf32>,
        %mul3A_426 = arith.mulf %get3A_425, %gather3A_387 : vector<16xf32>
        %swap3A_427 = arith.index_cast %scan3A_382 : i32 to index
        %swap3A_428 = arith.constant 80 : index
        %swap3A_429 = tpu.vector_load %arg21[%swap3A_427, %swap3A_428] {strides = array<i32>} : memref<64x128xf32, #tpu.memory_space<vmem>>, vector<16xf32>,
        tpu.vector_store %arg21[%swap3A_427, %swap3A_428], %mul3A_426 {strides = array<i32>} : memref<64x128xf32, #tpu.memory_space<vmem>>, vector<16xf32>,
        %get3A_430 = arith.index_cast %scan3A_382 : i32 to index
        %get3A_431 = arith.constant 96 : index
        %get3A_432 = tpu.vector_load %arg21[%get3A_430, %get3A_431] {strides = array<i32>} : memref<64x128xf32, #tpu.memory_space<vmem>>, vector<16xf32>,
        %mul3A_433 = arith.mulf %get3A_432, %gather3A_387 : vector<16xf32>
        %swap3A_434 = arith.index_cast %scan3A_382 : i32 to index
        %swap3A_435 = arith.constant 96 : index
        %swap3A_436 = tpu.vector_load %arg21[%swap3A_434, %swap3A_435] {strides = array<i32>} : memref<64x128xf32, #tpu.memory_space<vmem>>, vector<16xf32>,
        tpu.vector_store %arg21[%swap3A_434, %swap3A_435], %mul3A_433 {strides = array<i32>} : memref<64x128xf32, #tpu.memory_space<vmem>>, vector<16xf32>,
        %get3A_437 = arith.index_cast %scan3A_382 : i32 to index
        %get3A_438 = arith.constant 112 : index
        %get3A_439 = tpu.vector_load %arg21[%get3A_437, %get3A_438] {strides = array<i32>} : memref<64x128xf32, #tpu.memory_space<vmem>>, vector<16xf32>,
        %mul3A_440 = arith.mulf %get3A_439, %gather3A_387 : vector<16xf32>
        %swap3A_441 = arith.index_cast %scan3A_382 : i32 to index
        %swap3A_442 = arith.constant 112 : index
        %swap3A_443 = tpu.vector_load %arg21[%swap3A_441, %swap3A_442] {strides = array<i32>} : memref<64x128xf32, #tpu.memory_space<vmem>>, vector<16xf32>,
        tpu.vector_store %arg21[%swap3A_441, %swap3A_442], %mul3A_440 {strides = array<i32>} : memref<64x128xf32, #tpu.memory_space<vmem>>, vector<16xf32>,
      }
      %scan3A_121 = arith.constant 64 : i32
      "tpu.region"() ({
        %run_scoped3A = tpu.sem_alloc : memref<!tpu.dma_semaphore, #tpu.memory_space<semaphore_mem>>
        %dma_start3A_194 = arith.constant 0 : i32
        %dma_start3A_195 = arith.constant 0 : i32
        %dma_start3A_196 = tpu.memref_slice %arg25[%dma_start3A_194, %dma_start3A_195] : memref<10240x128xf32, #tpu.memory_space<vmem_shared>> -> memref<10240x128xf32, #tpu.memory_space<vmem_shared>>
        tpu.enqueue_indirect_dma source(%arg21 : memref<64x128xf32, #tpu.memory_space<vmem>>) target(%dma_start3A_196 : memref<10240x128xf32, #tpu.memory_space<vmem_shared>>) offsets(%arg15 : memref<64xi32, #tpu.memory_space<vmem>>) semaphore(%run_scoped3A : memref<!tpu.dma_semaphore, #tpu.memory_space<semaphore_mem>>) {add = true}
        %dma_wait3A_197 = arith.constant 0 : i32
        %dma_wait3A_198 = arith.constant 0 : i32
        %dma_wait3A_199 = tpu.memref_slice %arg25[%dma_wait3A_197, %dma_wait3A_198] : memref<10240x128xf32, #tpu.memory_space<vmem_shared>> -> memref<10240x128xf32, #tpu.memory_space<vmem_shared>>
        tpu.wait_indirect_dma semaphore(%run_scoped3A : memref<!tpu.dma_semaphore, #tpu.memory_space<semaphore_mem>>) src(%arg21 : memref<64x128xf32, #tpu.memory_space<vmem>>) dst(%dma_wait3A_199 : memref<10240x128xf32, #tpu.memory_space<vmem_shared>>)
        tpu.yield
      }) : () -> ()
      %add3A_122 = arith.constant 1 : i32
      %add3A_123 = arith.addi %add3A_52, %add3A_122 : i32
      %lt3A_124 = arith.constant 155 : i32
      %lt3A_125 = arith.cmpi slt, %add3A_123, %lt3A_124 : i32
      %convert_element_type3A_126 = arith.extui %lt3A_125 : i1 to i32
      %cond3A_127 = arith.constant 0 : i32
      %cond3A_128 = arith.cmpi ne, %convert_element_type3A_126, %cond3A_127 : i32
      scf.if %cond3A_128 {
        %add3A_194 = arith.constant 1 : i32
        %add3A_195 = arith.addi %add3A_123, %add3A_194 : i32
        %mul3A_196 = arith.constant 64 : i32
        %mul3A_197 = arith.muli %add3A_195, %mul3A_196 : i32
        %add3A_198 = arith.addi %mul3A_6, %mul3A_197 : i32
        "tpu.region"() ({
          %run_scoped3A = tpu.sem_alloc : memref<!tpu.dma_semaphore, #tpu.memory_space<semaphore_mem>>
          %dma_start3A_202 = tpu.memref_slice %arg2[%add3A_198] : memref<320000xi32, #tpu.memory_space<hbm>> -> memref<64xi32, #tpu.memory_space<hbm>>
          %dma_start3A_203 = tpu.memref_slice %arg2[%add3A_198] : memref<320000xi32, #tpu.memory_space<hbm>> -> memref<64xi32, #tpu.memory_space<hbm>>
          tpu.enqueue_dma source(%dma_start3A_203 : memref<64xi32, #tpu.memory_space<hbm>>) target(%arg14 : memref<64xi32, #tpu.memory_space<vmem>>) target_semaphore(%run_scoped3A : memref<!tpu.dma_semaphore, #tpu.memory_space<semaphore_mem>>)
          %dma_wait3A_204 = tpu.memref_slice %arg2[%add3A_198] : memref<320000xi32, #tpu.memory_space<hbm>> -> memref<64xi32, #tpu.memory_space<hbm>>
          %dma_wait3A_205 = tpu.memref_slice %arg2[%add3A_198] : memref<320000xi32, #tpu.memory_space<hbm>> -> memref<64xi32, #tpu.memory_space<hbm>>
          tpu.wait_dma2 semaphore(%run_scoped3A : memref<!tpu.dma_semaphore, #tpu.memory_space<semaphore_mem>>) src(%dma_wait3A_205 : memref<64xi32, #tpu.memory_space<hbm>>) dst(%arg14 : memref<64xi32, #tpu.memory_space<vmem>>)
          tpu.yield
        }) : () -> ()
        "tpu.region"() ({
          %run_scoped3A = tpu.sem_alloc : memref<!tpu.dma_semaphore, #tpu.memory_space<semaphore_mem>>
          %dma_start3A_202 = tpu.memref_slice %arg3[%add3A_198] : memref<320000xi32, #tpu.memory_space<hbm>> -> memref<64xi32, #tpu.memory_space<hbm>>
          %dma_start3A_203 = tpu.memref_slice %arg3[%add3A_198] : memref<320000xi32, #tpu.memory_space<hbm>> -> memref<64xi32, #tpu.memory_space<hbm>>
          tpu.enqueue_dma source(%dma_start3A_203 : memref<64xi32, #tpu.memory_space<hbm>>) target(%arg15 : memref<64xi32, #tpu.memory_space<vmem>>) target_semaphore(%run_scoped3A : memref<!tpu.dma_semaphore, #tpu.memory_space<semaphore_mem>>)
          %dma_wait3A_204 = tpu.memref_slice %arg3[%add3A_198] : memref<320000xi32, #tpu.memory_space<hbm>> -> memref<64xi32, #tpu.memory_space<hbm>>
          %dma_wait3A_205 = tpu.memref_slice %arg3[%add3A_198] : memref<320000xi32, #tpu.memory_space<hbm>> -> memref<64xi32, #tpu.memory_space<hbm>>
          tpu.wait_dma2 semaphore(%run_scoped3A : memref<!tpu.dma_semaphore, #tpu.memory_space<semaphore_mem>>) src(%dma_wait3A_205 : memref<64xi32, #tpu.memory_space<hbm>>) dst(%arg15 : memref<64xi32, #tpu.memory_space<vmem>>)
          tpu.yield
        }) : () -> ()
        %dma_start3A_199 = arith.constant 0 : i32
        %dma_start3A_200 = arith.constant 0 : i32
        %dma_start3A_201 = tpu.memref_slice %arg6[%dma_start3A_199, %dma_start3A_200] : memref<10000x128xf32, #tpu.memory_space<hbm>> -> memref<10000x128xf32, #tpu.memory_space<hbm>>
        tpu.enqueue_indirect_dma source(%dma_start3A_201 : memref<10000x128xf32, #tpu.memory_space<hbm>>) target(%arg21 : memref<64x128xf32, #tpu.memory_space<vmem>>) offsets(%arg14 : memref<64xi32, #tpu.memory_space<vmem>>) semaphore(%arg23 : memref<!tpu.dma_semaphore, #tpu.memory_space<semaphore_mem>>)
      } else {
      }
      %get3A_129 = arith.constant 0 : index
      %get3A_130 = tpu.vector_load %arg16[%get3A_129] {strides = array<i32>} : memref<64xi32, #tpu.memory_space<vmem>>, vector<16xi32>,
      %get3A_131 = arith.constant 0 : index
      %get3A_132 = tpu.vector_load %arg17[%get3A_131] {strides = array<i32>} : memref<64xi32, #tpu.memory_space<vmem>>, vector<16xi32>,
      %gather3A_133 = tpu.vector_load_idx %arg11[%get3A_130] : memref<10000xf32, #tpu.memory_space<vmem>>[vector<16xi32>], vector<16xf32>,
      %gather3A_134 = tpu.vector_load_idx %arg12[%get3A_132] : memref<10000xf32, #tpu.memory_space<vmem>>[vector<16xi32>], vector<16xf32>,
      %add3A_135 = arith.addf %gather3A_133, %gather3A_134 : vector<16xf32>
      %mul3A_136 = arith.constant 0.00999999977 : f32
      %mul3A_137 = vector.broadcast %mul3A_136 : f32 to vector<16xf32>
      %mul3A_138 = arith.mulf %add3A_135, %mul3A_137 : vector<16xf32>
      %max3A_139 = arith.maximumf %add3A_135, %mul3A_138 : vector<16xf32>
      %exp3A_140 = math.exp %max3A_139 : vector<16xf32>
      %swap3A_141 = arith.constant 0 : index
      %swap3A_142 = tpu.vector_load %arg20[%swap3A_141] {strides = array<i32>} : memref<64xf32, #tpu.memory_space<vmem>>, vector<16xf32>,
      tpu.vector_store %arg20[%swap3A_141], %exp3A_140 {strides = array<i32>} : memref<64xf32, #tpu.memory_space<vmem>>, vector<16xf32>,
      tpu.vector_store_idx %arg13[%get3A_132], %exp3A_140 {add = true} : memref<10000xf32, #tpu.memory_space<vmem>>[vector<16xi32>], vector<16xf32>,
      %get3A_143 = arith.constant 16 : index
      %get3A_144 = tpu.vector_load %arg16[%get3A_143] {strides = array<i32>} : memref<64xi32, #tpu.memory_space<vmem>>, vector<16xi32>,
      %get3A_145 = arith.constant 16 : index
      %get3A_146 = tpu.vector_load %arg17[%get3A_145] {strides = array<i32>} : memref<64xi32, #tpu.memory_space<vmem>>, vector<16xi32>,
      %gather3A_147 = tpu.vector_load_idx %arg11[%get3A_144] : memref<10000xf32, #tpu.memory_space<vmem>>[vector<16xi32>], vector<16xf32>,
      %gather3A_148 = tpu.vector_load_idx %arg12[%get3A_146] : memref<10000xf32, #tpu.memory_space<vmem>>[vector<16xi32>], vector<16xf32>,
      %add3A_149 = arith.addf %gather3A_147, %gather3A_148 : vector<16xf32>
      %mul3A_150 = arith.constant 0.00999999977 : f32
      %mul3A_151 = vector.broadcast %mul3A_150 : f32 to vector<16xf32>
      %mul3A_152 = arith.mulf %add3A_149, %mul3A_151 : vector<16xf32>
      %max3A_153 = arith.maximumf %add3A_149, %mul3A_152 : vector<16xf32>
      %exp3A_154 = math.exp %max3A_153 : vector<16xf32>
      %swap3A_155 = arith.constant 16 : index
      %swap3A_156 = tpu.vector_load %arg20[%swap3A_155] {strides = array<i32>} : memref<64xf32, #tpu.memory_space<vmem>>, vector<16xf32>,
      tpu.vector_store %arg20[%swap3A_155], %exp3A_154 {strides = array<i32>} : memref<64xf32, #tpu.memory_space<vmem>>, vector<16xf32>,
      tpu.vector_store_idx %arg13[%get3A_146], %exp3A_154 {add = true} : memref<10000xf32, #tpu.memory_space<vmem>>[vector<16xi32>], vector<16xf32>,
      %get3A_157 = arith.constant 32 : index
      %get3A_158 = tpu.vector_load %arg16[%get3A_157] {strides = array<i32>} : memref<64xi32, #tpu.memory_space<vmem>>, vector<16xi32>,
      %get3A_159 = arith.constant 32 : index
      %get3A_160 = tpu.vector_load %arg17[%get3A_159] {strides = array<i32>} : memref<64xi32, #tpu.memory_space<vmem>>, vector<16xi32>,
      %gather3A_161 = tpu.vector_load_idx %arg11[%get3A_158] : memref<10000xf32, #tpu.memory_space<vmem>>[vector<16xi32>], vector<16xf32>,
      %gather3A_162 = tpu.vector_load_idx %arg12[%get3A_160] : memref<10000xf32, #tpu.memory_space<vmem>>[vector<16xi32>], vector<16xf32>,
      %add3A_163 = arith.addf %gather3A_161, %gather3A_162 : vector<16xf32>
      %mul3A_164 = arith.constant 0.00999999977 : f32
      %mul3A_165 = vector.broadcast %mul3A_164 : f32 to vector<16xf32>
      %mul3A_166 = arith.mulf %add3A_163, %mul3A_165 : vector<16xf32>
      %max3A_167 = arith.maximumf %add3A_163, %mul3A_166 : vector<16xf32>
      %exp3A_168 = math.exp %max3A_167 : vector<16xf32>
      %swap3A_169 = arith.constant 32 : index
      %swap3A_170 = tpu.vector_load %arg20[%swap3A_169] {strides = array<i32>} : memref<64xf32, #tpu.memory_space<vmem>>, vector<16xf32>,
      tpu.vector_store %arg20[%swap3A_169], %exp3A_168 {strides = array<i32>} : memref<64xf32, #tpu.memory_space<vmem>>, vector<16xf32>,
      tpu.vector_store_idx %arg13[%get3A_160], %exp3A_168 {add = true} : memref<10000xf32, #tpu.memory_space<vmem>>[vector<16xi32>], vector<16xf32>,
      %get3A_171 = arith.constant 48 : index
      %get3A_172 = tpu.vector_load %arg16[%get3A_171] {strides = array<i32>} : memref<64xi32, #tpu.memory_space<vmem>>, vector<16xi32>,
      %get3A_173 = arith.constant 48 : index
      %get3A_174 = tpu.vector_load %arg17[%get3A_173] {strides = array<i32>} : memref<64xi32, #tpu.memory_space<vmem>>, vector<16xi32>,
      %gather3A_175 = tpu.vector_load_idx %arg11[%get3A_172] : memref<10000xf32, #tpu.memory_space<vmem>>[vector<16xi32>], vector<16xf32>,
      %gather3A_176 = tpu.vector_load_idx %arg12[%get3A_174] : memref<10000xf32, #tpu.memory_space<vmem>>[vector<16xi32>], vector<16xf32>,
      %add3A_177 = arith.addf %gather3A_175, %gather3A_176 : vector<16xf32>
      %mul3A_178 = arith.constant 0.00999999977 : f32
      %mul3A_179 = vector.broadcast %mul3A_178 : f32 to vector<16xf32>
      %mul3A_180 = arith.mulf %add3A_177, %mul3A_179 : vector<16xf32>
      %max3A_181 = arith.maximumf %add3A_177, %mul3A_180 : vector<16xf32>
      %exp3A_182 = math.exp %max3A_181 : vector<16xf32>
      %swap3A_183 = arith.constant 48 : index
      %swap3A_184 = tpu.vector_load %arg20[%swap3A_183] {strides = array<i32>} : memref<64xf32, #tpu.memory_space<vmem>>, vector<16xf32>,
      tpu.vector_store %arg20[%swap3A_183], %exp3A_182 {strides = array<i32>} : memref<64xf32, #tpu.memory_space<vmem>>, vector<16xf32>,
      tpu.vector_store_idx %arg13[%get3A_174], %exp3A_182 {add = true} : memref<10000xf32, #tpu.memory_space<vmem>>[vector<16xi32>], vector<16xf32>,
      %dma_wait3A_185 = arith.constant 0 : i32
      %dma_wait3A_186 = arith.constant 0 : i32
      %dma_wait3A_187 = tpu.memref_slice %arg6[%dma_wait3A_185, %dma_wait3A_186] : memref<10000x128xf32, #tpu.memory_space<hbm>> -> memref<10000x128xf32, #tpu.memory_space<hbm>>
      tpu.wait_indirect_dma semaphore(%arg24 : memref<!tpu.dma_semaphore, #tpu.memory_space<semaphore_mem>>) src(%dma_wait3A_187 : memref<10000x128xf32, #tpu.memory_space<hbm>>) dst(%arg22 : memref<64x128xf32, #tpu.memory_space<vmem>>)
      %scan3A_188 = arith.constant 0 : i32
      %scan3A_189 = arith.constant 0 : i32
      %scan3A_190 = arith.constant 64 : i32
      %scan3A_191 = arith.addi %scan3A_189, %scan3A_190 : i32
      %scan3A_192 = arith.constant 4 : i32
      scf.for %scan3A_194 = %scan3A_189 to %scan3A_191 step %scan3A_192  : i32 {
        %broadcast_in_dim3A = arith.constant 0 : i32
        %broadcast_in_dim3A_195 = vector.broadcast %broadcast_in_dim3A : i32 to vector<16xi32>
        %add3A_196 = vector.broadcast %scan3A_194 : i32 to vector<16xi32>
        %add3A_197 = arith.addi %broadcast_in_dim3A_195, %add3A_196 : vector<16xi32>
        %gather3A_198 = tpu.vector_load_idx %arg20[%add3A_197] : memref<64xf32, #tpu.memory_space<vmem>>[vector<16xi32>], vector<16xf32>,
        %get3A_199 = arith.index_cast %scan3A_194 : i32 to index
        %get3A_200 = arith.constant 0 : index
        %get3A_201 = tpu.vector_load %arg22[%get3A_199, %get3A_200] {strides = array<i32>} : memref<64x128xf32, #tpu.memory_space<vmem>>, vector<16xf32>,
        %mul3A_202 = arith.mulf %get3A_201, %gather3A_198 : vector<16xf32>
        %swap3A_203 = arith.index_cast %scan3A_194 : i32 to index
        %swap3A_204 = arith.constant 0 : index
        %swap3A_205 = tpu.vector_load %arg22[%swap3A_203, %swap3A_204] {strides = array<i32>} : memref<64x128xf32, #tpu.memory_space<vmem>>, vector<16xf32>,
        tpu.vector_store %arg22[%swap3A_203, %swap3A_204], %mul3A_202 {strides = array<i32>} : memref<64x128xf32, #tpu.memory_space<vmem>>, vector<16xf32>,
        %get3A_206 = arith.index_cast %scan3A_194 : i32 to index
        %get3A_207 = arith.constant 16 : index
        %get3A_208 = tpu.vector_load %arg22[%get3A_206, %get3A_207] {strides = array<i32>} : memref<64x128xf32, #tpu.memory_space<vmem>>, vector<16xf32>,
        %mul3A_209 = arith.mulf %get3A_208, %gather3A_198 : vector<16xf32>
        %swap3A_210 = arith.index_cast %scan3A_194 : i32 to index
        %swap3A_211 = arith.constant 16 : index
        %swap3A_212 = tpu.vector_load %arg22[%swap3A_210, %swap3A_211] {strides = array<i32>} : memref<64x128xf32, #tpu.memory_space<vmem>>, vector<16xf32>,
        tpu.vector_store %arg22[%swap3A_210, %swap3A_211], %mul3A_209 {strides = array<i32>} : memref<64x128xf32, #tpu.memory_space<vmem>>, vector<16xf32>,
        %get3A_213 = arith.index_cast %scan3A_194 : i32 to index
        %get3A_214 = arith.constant 32 : index
        %get3A_215 = tpu.vector_load %arg22[%get3A_213, %get3A_214] {strides = array<i32>} : memref<64x128xf32, #tpu.memory_space<vmem>>, vector<16xf32>,
        %mul3A_216 = arith.mulf %get3A_215, %gather3A_198 : vector<16xf32>
        %swap3A_217 = arith.index_cast %scan3A_194 : i32 to index
        %swap3A_218 = arith.constant 32 : index
        %swap3A_219 = tpu.vector_load %arg22[%swap3A_217, %swap3A_218] {strides = array<i32>} : memref<64x128xf32, #tpu.memory_space<vmem>>, vector<16xf32>,
        tpu.vector_store %arg22[%swap3A_217, %swap3A_218], %mul3A_216 {strides = array<i32>} : memref<64x128xf32, #tpu.memory_space<vmem>>, vector<16xf32>,
        %get3A_220 = arith.index_cast %scan3A_194 : i32 to index
        %get3A_221 = arith.constant 48 : index
        %get3A_222 = tpu.vector_load %arg22[%get3A_220, %get3A_221] {strides = array<i32>} : memref<64x128xf32, #tpu.memory_space<vmem>>, vector<16xf32>,
        %mul3A_223 = arith.mulf %get3A_222, %gather3A_198 : vector<16xf32>
        %swap3A_224 = arith.index_cast %scan3A_194 : i32 to index
        %swap3A_225 = arith.constant 48 : index
        %swap3A_226 = tpu.vector_load %arg22[%swap3A_224, %swap3A_225] {strides = array<i32>} : memref<64x128xf32, #tpu.memory_space<vmem>>, vector<16xf32>,
        tpu.vector_store %arg22[%swap3A_224, %swap3A_225], %mul3A_223 {strides = array<i32>} : memref<64x128xf32, #tpu.memory_space<vmem>>, vector<16xf32>,
        %get3A_227 = arith.index_cast %scan3A_194 : i32 to index
        %get3A_228 = arith.constant 64 : index
        %get3A_229 = tpu.vector_load %arg22[%get3A_227, %get3A_228] {strides = array<i32>} : memref<64x128xf32, #tpu.memory_space<vmem>>, vector<16xf32>,
        %mul3A_230 = arith.mulf %get3A_229, %gather3A_198 : vector<16xf32>
        %swap3A_231 = arith.index_cast %scan3A_194 : i32 to index
        %swap3A_232 = arith.constant 64 : index
        %swap3A_233 = tpu.vector_load %arg22[%swap3A_231, %swap3A_232] {strides = array<i32>} : memref<64x128xf32, #tpu.memory_space<vmem>>, vector<16xf32>,
        tpu.vector_store %arg22[%swap3A_231, %swap3A_232], %mul3A_230 {strides = array<i32>} : memref<64x128xf32, #tpu.memory_space<vmem>>, vector<16xf32>,
        %get3A_234 = arith.index_cast %scan3A_194 : i32 to index
        %get3A_235 = arith.constant 80 : index
        %get3A_236 = tpu.vector_load %arg22[%get3A_234, %get3A_235] {strides = array<i32>} : memref<64x128xf32, #tpu.memory_space<vmem>>, vector<16xf32>,
        %mul3A_237 = arith.mulf %get3A_236, %gather3A_198 : vector<16xf32>
        %swap3A_238 = arith.index_cast %scan3A_194 : i32 to index
        %swap3A_239 = arith.constant 80 : index
        %swap3A_240 = tpu.vector_load %arg22[%swap3A_238, %swap3A_239] {strides = array<i32>} : memref<64x128xf32, #tpu.memory_space<vmem>>, vector<16xf32>,
        tpu.vector_store %arg22[%swap3A_238, %swap3A_239], %mul3A_237 {strides = array<i32>} : memref<64x128xf32, #tpu.memory_space<vmem>>, vector<16xf32>,
        %get3A_241 = arith.index_cast %scan3A_194 : i32 to index
        %get3A_242 = arith.constant 96 : index
        %get3A_243 = tpu.vector_load %arg22[%get3A_241, %get3A_242] {strides = array<i32>} : memref<64x128xf32, #tpu.memory_space<vmem>>, vector<16xf32>,
        %mul3A_244 = arith.mulf %get3A_243, %gather3A_198 : vector<16xf32>
        %swap3A_245 = arith.index_cast %scan3A_194 : i32 to index
        %swap3A_246 = arith.constant 96 : index
        %swap3A_247 = tpu.vector_load %arg22[%swap3A_245, %swap3A_246] {strides = array<i32>} : memref<64x128xf32, #tpu.memory_space<vmem>>, vector<16xf32>,
        tpu.vector_store %arg22[%swap3A_245, %swap3A_246], %mul3A_244 {strides = array<i32>} : memref<64x128xf32, #tpu.memory_space<vmem>>, vector<16xf32>,
        %get3A_248 = arith.index_cast %scan3A_194 : i32 to index
        %get3A_249 = arith.constant 112 : index
        %get3A_250 = tpu.vector_load %arg22[%get3A_248, %get3A_249] {strides = array<i32>} : memref<64x128xf32, #tpu.memory_space<vmem>>, vector<16xf32>,
        %mul3A_251 = arith.mulf %get3A_250, %gather3A_198 : vector<16xf32>
        %swap3A_252 = arith.index_cast %scan3A_194 : i32 to index
        %swap3A_253 = arith.constant 112 : index
        %swap3A_254 = tpu.vector_load %arg22[%swap3A_252, %swap3A_253] {strides = array<i32>} : memref<64x128xf32, #tpu.memory_space<vmem>>, vector<16xf32>,
        tpu.vector_store %arg22[%swap3A_252, %swap3A_253], %mul3A_251 {strides = array<i32>} : memref<64x128xf32, #tpu.memory_space<vmem>>, vector<16xf32>,
        %scan3A_255 = arith.constant 1 : i32
        %scan3A_256 = arith.addi %scan3A_194, %scan3A_255 : i32
        %broadcast_in_dim3A_257 = arith.constant 0 : i32
        %broadcast_in_dim3A_258 = vector.broadcast %broadcast_in_dim3A_257 : i32 to vector<16xi32>
        %add3A_259 = vector.broadcast %scan3A_256 : i32 to vector<16xi32>
        %add3A_260 = arith.addi %broadcast_in_dim3A_258, %add3A_259 : vector<16xi32>
        %gather3A_261 = tpu.vector_load_idx %arg20[%add3A_260] : memref<64xf32, #tpu.memory_space<vmem>>[vector<16xi32>], vector<16xf32>,
        %get3A_262 = arith.index_cast %scan3A_256 : i32 to index
        %get3A_263 = arith.constant 0 : index
        %get3A_264 = tpu.vector_load %arg22[%get3A_262, %get3A_263] {strides = array<i32>} : memref<64x128xf32, #tpu.memory_space<vmem>>, vector<16xf32>,
        %mul3A_265 = arith.mulf %get3A_264, %gather3A_261 : vector<16xf32>
        %swap3A_266 = arith.index_cast %scan3A_256 : i32 to index
        %swap3A_267 = arith.constant 0 : index
        %swap3A_268 = tpu.vector_load %arg22[%swap3A_266, %swap3A_267] {strides = array<i32>} : memref<64x128xf32, #tpu.memory_space<vmem>>, vector<16xf32>,
        tpu.vector_store %arg22[%swap3A_266, %swap3A_267], %mul3A_265 {strides = array<i32>} : memref<64x128xf32, #tpu.memory_space<vmem>>, vector<16xf32>,
        %get3A_269 = arith.index_cast %scan3A_256 : i32 to index
        %get3A_270 = arith.constant 16 : index
        %get3A_271 = tpu.vector_load %arg22[%get3A_269, %get3A_270] {strides = array<i32>} : memref<64x128xf32, #tpu.memory_space<vmem>>, vector<16xf32>,
        %mul3A_272 = arith.mulf %get3A_271, %gather3A_261 : vector<16xf32>
        %swap3A_273 = arith.index_cast %scan3A_256 : i32 to index
        %swap3A_274 = arith.constant 16 : index
        %swap3A_275 = tpu.vector_load %arg22[%swap3A_273, %swap3A_274] {strides = array<i32>} : memref<64x128xf32, #tpu.memory_space<vmem>>, vector<16xf32>,
        tpu.vector_store %arg22[%swap3A_273, %swap3A_274], %mul3A_272 {strides = array<i32>} : memref<64x128xf32, #tpu.memory_space<vmem>>, vector<16xf32>,
        %get3A_276 = arith.index_cast %scan3A_256 : i32 to index
        %get3A_277 = arith.constant 32 : index
        %get3A_278 = tpu.vector_load %arg22[%get3A_276, %get3A_277] {strides = array<i32>} : memref<64x128xf32, #tpu.memory_space<vmem>>, vector<16xf32>,
        %mul3A_279 = arith.mulf %get3A_278, %gather3A_261 : vector<16xf32>
        %swap3A_280 = arith.index_cast %scan3A_256 : i32 to index
        %swap3A_281 = arith.constant 32 : index
        %swap3A_282 = tpu.vector_load %arg22[%swap3A_280, %swap3A_281] {strides = array<i32>} : memref<64x128xf32, #tpu.memory_space<vmem>>, vector<16xf32>,
        tpu.vector_store %arg22[%swap3A_280, %swap3A_281], %mul3A_279 {strides = array<i32>} : memref<64x128xf32, #tpu.memory_space<vmem>>, vector<16xf32>,
        %get3A_283 = arith.index_cast %scan3A_256 : i32 to index
        %get3A_284 = arith.constant 48 : index
        %get3A_285 = tpu.vector_load %arg22[%get3A_283, %get3A_284] {strides = array<i32>} : memref<64x128xf32, #tpu.memory_space<vmem>>, vector<16xf32>,
        %mul3A_286 = arith.mulf %get3A_285, %gather3A_261 : vector<16xf32>
        %swap3A_287 = arith.index_cast %scan3A_256 : i32 to index
        %swap3A_288 = arith.constant 48 : index
        %swap3A_289 = tpu.vector_load %arg22[%swap3A_287, %swap3A_288] {strides = array<i32>} : memref<64x128xf32, #tpu.memory_space<vmem>>, vector<16xf32>,
        tpu.vector_store %arg22[%swap3A_287, %swap3A_288], %mul3A_286 {strides = array<i32>} : memref<64x128xf32, #tpu.memory_space<vmem>>, vector<16xf32>,
        %get3A_290 = arith.index_cast %scan3A_256 : i32 to index
        %get3A_291 = arith.constant 64 : index
        %get3A_292 = tpu.vector_load %arg22[%get3A_290, %get3A_291] {strides = array<i32>} : memref<64x128xf32, #tpu.memory_space<vmem>>, vector<16xf32>,
        %mul3A_293 = arith.mulf %get3A_292, %gather3A_261 : vector<16xf32>
        %swap3A_294 = arith.index_cast %scan3A_256 : i32 to index
        %swap3A_295 = arith.constant 64 : index
        %swap3A_296 = tpu.vector_load %arg22[%swap3A_294, %swap3A_295] {strides = array<i32>} : memref<64x128xf32, #tpu.memory_space<vmem>>, vector<16xf32>,
        tpu.vector_store %arg22[%swap3A_294, %swap3A_295], %mul3A_293 {strides = array<i32>} : memref<64x128xf32, #tpu.memory_space<vmem>>, vector<16xf32>,
        %get3A_297 = arith.index_cast %scan3A_256 : i32 to index
        %get3A_298 = arith.constant 80 : index
        %get3A_299 = tpu.vector_load %arg22[%get3A_297, %get3A_298] {strides = array<i32>} : memref<64x128xf32, #tpu.memory_space<vmem>>, vector<16xf32>,
        %mul3A_300 = arith.mulf %get3A_299, %gather3A_261 : vector<16xf32>
        %swap3A_301 = arith.index_cast %scan3A_256 : i32 to index
        %swap3A_302 = arith.constant 80 : index
        %swap3A_303 = tpu.vector_load %arg22[%swap3A_301, %swap3A_302] {strides = array<i32>} : memref<64x128xf32, #tpu.memory_space<vmem>>, vector<16xf32>,
        tpu.vector_store %arg22[%swap3A_301, %swap3A_302], %mul3A_300 {strides = array<i32>} : memref<64x128xf32, #tpu.memory_space<vmem>>, vector<16xf32>,
        %get3A_304 = arith.index_cast %scan3A_256 : i32 to index
        %get3A_305 = arith.constant 96 : index
        %get3A_306 = tpu.vector_load %arg22[%get3A_304, %get3A_305] {strides = array<i32>} : memref<64x128xf32, #tpu.memory_space<vmem>>, vector<16xf32>,
        %mul3A_307 = arith.mulf %get3A_306, %gather3A_261 : vector<16xf32>
        %swap3A_308 = arith.index_cast %scan3A_256 : i32 to index
        %swap3A_309 = arith.constant 96 : index
        %swap3A_310 = tpu.vector_load %arg22[%swap3A_308, %swap3A_309] {strides = array<i32>} : memref<64x128xf32, #tpu.memory_space<vmem>>, vector<16xf32>,
        tpu.vector_store %arg22[%swap3A_308, %swap3A_309], %mul3A_307 {strides = array<i32>} : memref<64x128xf32, #tpu.memory_space<vmem>>, vector<16xf32>,
        %get3A_311 = arith.index_cast %scan3A_256 : i32 to index
        %get3A_312 = arith.constant 112 : index
        %get3A_313 = tpu.vector_load %arg22[%get3A_311, %get3A_312] {strides = array<i32>} : memref<64x128xf32, #tpu.memory_space<vmem>>, vector<16xf32>,
        %mul3A_314 = arith.mulf %get3A_313, %gather3A_261 : vector<16xf32>
        %swap3A_315 = arith.index_cast %scan3A_256 : i32 to index
        %swap3A_316 = arith.constant 112 : index
        %swap3A_317 = tpu.vector_load %arg22[%swap3A_315, %swap3A_316] {strides = array<i32>} : memref<64x128xf32, #tpu.memory_space<vmem>>, vector<16xf32>,
        tpu.vector_store %arg22[%swap3A_315, %swap3A_316], %mul3A_314 {strides = array<i32>} : memref<64x128xf32, #tpu.memory_space<vmem>>, vector<16xf32>,
        %scan3A_318 = arith.constant 2 : i32
        %scan3A_319 = arith.addi %scan3A_194, %scan3A_318 : i32
        %broadcast_in_dim3A_320 = arith.constant 0 : i32
        %broadcast_in_dim3A_321 = vector.broadcast %broadcast_in_dim3A_320 : i32 to vector<16xi32>
        %add3A_322 = vector.broadcast %scan3A_319 : i32 to vector<16xi32>
        %add3A_323 = arith.addi %broadcast_in_dim3A_321, %add3A_322 : vector<16xi32>
        %gather3A_324 = tpu.vector_load_idx %arg20[%add3A_323] : memref<64xf32, #tpu.memory_space<vmem>>[vector<16xi32>], vector<16xf32>,
        %get3A_325 = arith.index_cast %scan3A_319 : i32 to index
        %get3A_326 = arith.constant 0 : index
        %get3A_327 = tpu.vector_load %arg22[%get3A_325, %get3A_326] {strides = array<i32>} : memref<64x128xf32, #tpu.memory_space<vmem>>, vector<16xf32>,
        %mul3A_328 = arith.mulf %get3A_327, %gather3A_324 : vector<16xf32>
        %swap3A_329 = arith.index_cast %scan3A_319 : i32 to index
        %swap3A_330 = arith.constant 0 : index
        %swap3A_331 = tpu.vector_load %arg22[%swap3A_329, %swap3A_330] {strides = array<i32>} : memref<64x128xf32, #tpu.memory_space<vmem>>, vector<16xf32>,
        tpu.vector_store %arg22[%swap3A_329, %swap3A_330], %mul3A_328 {strides = array<i32>} : memref<64x128xf32, #tpu.memory_space<vmem>>, vector<16xf32>,
        %get3A_332 = arith.index_cast %scan3A_319 : i32 to index
        %get3A_333 = arith.constant 16 : index
        %get3A_334 = tpu.vector_load %arg22[%get3A_332, %get3A_333] {strides = array<i32>} : memref<64x128xf32, #tpu.memory_space<vmem>>, vector<16xf32>,
        %mul3A_335 = arith.mulf %get3A_334, %gather3A_324 : vector<16xf32>
        %swap3A_336 = arith.index_cast %scan3A_319 : i32 to index
        %swap3A_337 = arith.constant 16 : index
        %swap3A_338 = tpu.vector_load %arg22[%swap3A_336, %swap3A_337] {strides = array<i32>} : memref<64x128xf32, #tpu.memory_space<vmem>>, vector<16xf32>,
        tpu.vector_store %arg22[%swap3A_336, %swap3A_337], %mul3A_335 {strides = array<i32>} : memref<64x128xf32, #tpu.memory_space<vmem>>, vector<16xf32>,
        %get3A_339 = arith.index_cast %scan3A_319 : i32 to index
        %get3A_340 = arith.constant 32 : index
        %get3A_341 = tpu.vector_load %arg22[%get3A_339, %get3A_340] {strides = array<i32>} : memref<64x128xf32, #tpu.memory_space<vmem>>, vector<16xf32>,
        %mul3A_342 = arith.mulf %get3A_341, %gather3A_324 : vector<16xf32>
        %swap3A_343 = arith.index_cast %scan3A_319 : i32 to index
        %swap3A_344 = arith.constant 32 : index
        %swap3A_345 = tpu.vector_load %arg22[%swap3A_343, %swap3A_344] {strides = array<i32>} : memref<64x128xf32, #tpu.memory_space<vmem>>, vector<16xf32>,
        tpu.vector_store %arg22[%swap3A_343, %swap3A_344], %mul3A_342 {strides = array<i32>} : memref<64x128xf32, #tpu.memory_space<vmem>>, vector<16xf32>,
        %get3A_346 = arith.index_cast %scan3A_319 : i32 to index
        %get3A_347 = arith.constant 48 : index
        %get3A_348 = tpu.vector_load %arg22[%get3A_346, %get3A_347] {strides = array<i32>} : memref<64x128xf32, #tpu.memory_space<vmem>>, vector<16xf32>,
        %mul3A_349 = arith.mulf %get3A_348, %gather3A_324 : vector<16xf32>
        %swap3A_350 = arith.index_cast %scan3A_319 : i32 to index
        %swap3A_351 = arith.constant 48 : index
        %swap3A_352 = tpu.vector_load %arg22[%swap3A_350, %swap3A_351] {strides = array<i32>} : memref<64x128xf32, #tpu.memory_space<vmem>>, vector<16xf32>,
        tpu.vector_store %arg22[%swap3A_350, %swap3A_351], %mul3A_349 {strides = array<i32>} : memref<64x128xf32, #tpu.memory_space<vmem>>, vector<16xf32>,
        %get3A_353 = arith.index_cast %scan3A_319 : i32 to index
        %get3A_354 = arith.constant 64 : index
        %get3A_355 = tpu.vector_load %arg22[%get3A_353, %get3A_354] {strides = array<i32>} : memref<64x128xf32, #tpu.memory_space<vmem>>, vector<16xf32>,
        %mul3A_356 = arith.mulf %get3A_355, %gather3A_324 : vector<16xf32>
        %swap3A_357 = arith.index_cast %scan3A_319 : i32 to index
        %swap3A_358 = arith.constant 64 : index
        %swap3A_359 = tpu.vector_load %arg22[%swap3A_357, %swap3A_358] {strides = array<i32>} : memref<64x128xf32, #tpu.memory_space<vmem>>, vector<16xf32>,
        tpu.vector_store %arg22[%swap3A_357, %swap3A_358], %mul3A_356 {strides = array<i32>} : memref<64x128xf32, #tpu.memory_space<vmem>>, vector<16xf32>,
        %get3A_360 = arith.index_cast %scan3A_319 : i32 to index
        %get3A_361 = arith.constant 80 : index
        %get3A_362 = tpu.vector_load %arg22[%get3A_360, %get3A_361] {strides = array<i32>} : memref<64x128xf32, #tpu.memory_space<vmem>>, vector<16xf32>,
        %mul3A_363 = arith.mulf %get3A_362, %gather3A_324 : vector<16xf32>
        %swap3A_364 = arith.index_cast %scan3A_319 : i32 to index
        %swap3A_365 = arith.constant 80 : index
        %swap3A_366 = tpu.vector_load %arg22[%swap3A_364, %swap3A_365] {strides = array<i32>} : memref<64x128xf32, #tpu.memory_space<vmem>>, vector<16xf32>,
        tpu.vector_store %arg22[%swap3A_364, %swap3A_365], %mul3A_363 {strides = array<i32>} : memref<64x128xf32, #tpu.memory_space<vmem>>, vector<16xf32>,
        %get3A_367 = arith.index_cast %scan3A_319 : i32 to index
        %get3A_368 = arith.constant 96 : index
        %get3A_369 = tpu.vector_load %arg22[%get3A_367, %get3A_368] {strides = array<i32>} : memref<64x128xf32, #tpu.memory_space<vmem>>, vector<16xf32>,
        %mul3A_370 = arith.mulf %get3A_369, %gather3A_324 : vector<16xf32>
        %swap3A_371 = arith.index_cast %scan3A_319 : i32 to index
        %swap3A_372 = arith.constant 96 : index
        %swap3A_373 = tpu.vector_load %arg22[%swap3A_371, %swap3A_372] {strides = array<i32>} : memref<64x128xf32, #tpu.memory_space<vmem>>, vector<16xf32>,
        tpu.vector_store %arg22[%swap3A_371, %swap3A_372], %mul3A_370 {strides = array<i32>} : memref<64x128xf32, #tpu.memory_space<vmem>>, vector<16xf32>,
        %get3A_374 = arith.index_cast %scan3A_319 : i32 to index
        %get3A_375 = arith.constant 112 : index
        %get3A_376 = tpu.vector_load %arg22[%get3A_374, %get3A_375] {strides = array<i32>} : memref<64x128xf32, #tpu.memory_space<vmem>>, vector<16xf32>,
        %mul3A_377 = arith.mulf %get3A_376, %gather3A_324 : vector<16xf32>
        %swap3A_378 = arith.index_cast %scan3A_319 : i32 to index
        %swap3A_379 = arith.constant 112 : index
        %swap3A_380 = tpu.vector_load %arg22[%swap3A_378, %swap3A_379] {strides = array<i32>} : memref<64x128xf32, #tpu.memory_space<vmem>>, vector<16xf32>,
        tpu.vector_store %arg22[%swap3A_378, %swap3A_379], %mul3A_377 {strides = array<i32>} : memref<64x128xf32, #tpu.memory_space<vmem>>, vector<16xf32>,
        %scan3A_381 = arith.constant 3 : i32
        %scan3A_382 = arith.addi %scan3A_194, %scan3A_381 : i32
        %broadcast_in_dim3A_383 = arith.constant 0 : i32
        %broadcast_in_dim3A_384 = vector.broadcast %broadcast_in_dim3A_383 : i32 to vector<16xi32>
        %add3A_385 = vector.broadcast %scan3A_382 : i32 to vector<16xi32>
        %add3A_386 = arith.addi %broadcast_in_dim3A_384, %add3A_385 : vector<16xi32>
        %gather3A_387 = tpu.vector_load_idx %arg20[%add3A_386] : memref<64xf32, #tpu.memory_space<vmem>>[vector<16xi32>], vector<16xf32>,
        %get3A_388 = arith.index_cast %scan3A_382 : i32 to index
        %get3A_389 = arith.constant 0 : index
        %get3A_390 = tpu.vector_load %arg22[%get3A_388, %get3A_389] {strides = array<i32>} : memref<64x128xf32, #tpu.memory_space<vmem>>, vector<16xf32>,
        %mul3A_391 = arith.mulf %get3A_390, %gather3A_387 : vector<16xf32>
        %swap3A_392 = arith.index_cast %scan3A_382 : i32 to index
        %swap3A_393 = arith.constant 0 : index
        %swap3A_394 = tpu.vector_load %arg22[%swap3A_392, %swap3A_393] {strides = array<i32>} : memref<64x128xf32, #tpu.memory_space<vmem>>, vector<16xf32>,
        tpu.vector_store %arg22[%swap3A_392, %swap3A_393], %mul3A_391 {strides = array<i32>} : memref<64x128xf32, #tpu.memory_space<vmem>>, vector<16xf32>,
        %get3A_395 = arith.index_cast %scan3A_382 : i32 to index
        %get3A_396 = arith.constant 16 : index
        %get3A_397 = tpu.vector_load %arg22[%get3A_395, %get3A_396] {strides = array<i32>} : memref<64x128xf32, #tpu.memory_space<vmem>>, vector<16xf32>,
        %mul3A_398 = arith.mulf %get3A_397, %gather3A_387 : vector<16xf32>
        %swap3A_399 = arith.index_cast %scan3A_382 : i32 to index
        %swap3A_400 = arith.constant 16 : index
        %swap3A_401 = tpu.vector_load %arg22[%swap3A_399, %swap3A_400] {strides = array<i32>} : memref<64x128xf32, #tpu.memory_space<vmem>>, vector<16xf32>,
        tpu.vector_store %arg22[%swap3A_399, %swap3A_400], %mul3A_398 {strides = array<i32>} : memref<64x128xf32, #tpu.memory_space<vmem>>, vector<16xf32>,
        %get3A_402 = arith.index_cast %scan3A_382 : i32 to index
        %get3A_403 = arith.constant 32 : index
        %get3A_404 = tpu.vector_load %arg22[%get3A_402, %get3A_403] {strides = array<i32>} : memref<64x128xf32, #tpu.memory_space<vmem>>, vector<16xf32>,
        %mul3A_405 = arith.mulf %get3A_404, %gather3A_387 : vector<16xf32>
        %swap3A_406 = arith.index_cast %scan3A_382 : i32 to index
        %swap3A_407 = arith.constant 32 : index
        %swap3A_408 = tpu.vector_load %arg22[%swap3A_406, %swap3A_407] {strides = array<i32>} : memref<64x128xf32, #tpu.memory_space<vmem>>, vector<16xf32>,
        tpu.vector_store %arg22[%swap3A_406, %swap3A_407], %mul3A_405 {strides = array<i32>} : memref<64x128xf32, #tpu.memory_space<vmem>>, vector<16xf32>,
        %get3A_409 = arith.index_cast %scan3A_382 : i32 to index
        %get3A_410 = arith.constant 48 : index
        %get3A_411 = tpu.vector_load %arg22[%get3A_409, %get3A_410] {strides = array<i32>} : memref<64x128xf32, #tpu.memory_space<vmem>>, vector<16xf32>,
        %mul3A_412 = arith.mulf %get3A_411, %gather3A_387 : vector<16xf32>
        %swap3A_413 = arith.index_cast %scan3A_382 : i32 to index
        %swap3A_414 = arith.constant 48 : index
        %swap3A_415 = tpu.vector_load %arg22[%swap3A_413, %swap3A_414] {strides = array<i32>} : memref<64x128xf32, #tpu.memory_space<vmem>>, vector<16xf32>,
        tpu.vector_store %arg22[%swap3A_413, %swap3A_414], %mul3A_412 {strides = array<i32>} : memref<64x128xf32, #tpu.memory_space<vmem>>, vector<16xf32>,
        %get3A_416 = arith.index_cast %scan3A_382 : i32 to index
        %get3A_417 = arith.constant 64 : index
        %get3A_418 = tpu.vector_load %arg22[%get3A_416, %get3A_417] {strides = array<i32>} : memref<64x128xf32, #tpu.memory_space<vmem>>, vector<16xf32>,
        %mul3A_419 = arith.mulf %get3A_418, %gather3A_387 : vector<16xf32>
        %swap3A_420 = arith.index_cast %scan3A_382 : i32 to index
        %swap3A_421 = arith.constant 64 : index
        %swap3A_422 = tpu.vector_load %arg22[%swap3A_420, %swap3A_421] {strides = array<i32>} : memref<64x128xf32, #tpu.memory_space<vmem>>, vector<16xf32>,
        tpu.vector_store %arg22[%swap3A_420, %swap3A_421], %mul3A_419 {strides = array<i32>} : memref<64x128xf32, #tpu.memory_space<vmem>>, vector<16xf32>,
        %get3A_423 = arith.index_cast %scan3A_382 : i32 to index
        %get3A_424 = arith.constant 80 : index
        %get3A_425 = tpu.vector_load %arg22[%get3A_423, %get3A_424] {strides = array<i32>} : memref<64x128xf32, #tpu.memory_space<vmem>>, vector<16xf32>,
        %mul3A_426 = arith.mulf %get3A_425, %gather3A_387 : vector<16xf32>
        %swap3A_427 = arith.index_cast %scan3A_382 : i32 to index
        %swap3A_428 = arith.constant 80 : index
        %swap3A_429 = tpu.vector_load %arg22[%swap3A_427, %swap3A_428] {strides = array<i32>} : memref<64x128xf32, #tpu.memory_space<vmem>>, vector<16xf32>,
        tpu.vector_store %arg22[%swap3A_427, %swap3A_428], %mul3A_426 {strides = array<i32>} : memref<64x128xf32, #tpu.memory_space<vmem>>, vector<16xf32>,
        %get3A_430 = arith.index_cast %scan3A_382 : i32 to index
        %get3A_431 = arith.constant 96 : index
        %get3A_432 = tpu.vector_load %arg22[%get3A_430, %get3A_431] {strides = array<i32>} : memref<64x128xf32, #tpu.memory_space<vmem>>, vector<16xf32>,
        %mul3A_433 = arith.mulf %get3A_432, %gather3A_387 : vector<16xf32>
        %swap3A_434 = arith.index_cast %scan3A_382 : i32 to index
        %swap3A_435 = arith.constant 96 : index
        %swap3A_436 = tpu.vector_load %arg22[%swap3A_434, %swap3A_435] {strides = array<i32>} : memref<64x128xf32, #tpu.memory_space<vmem>>, vector<16xf32>,
        tpu.vector_store %arg22[%swap3A_434, %swap3A_435], %mul3A_433 {strides = array<i32>} : memref<64x128xf32, #tpu.memory_space<vmem>>, vector<16xf32>,
        %get3A_437 = arith.index_cast %scan3A_382 : i32 to index
        %get3A_438 = arith.constant 112 : index
        %get3A_439 = tpu.vector_load %arg22[%get3A_437, %get3A_438] {strides = array<i32>} : memref<64x128xf32, #tpu.memory_space<vmem>>, vector<16xf32>,
        %mul3A_440 = arith.mulf %get3A_439, %gather3A_387 : vector<16xf32>
        %swap3A_441 = arith.index_cast %scan3A_382 : i32 to index
        %swap3A_442 = arith.constant 112 : index
        %swap3A_443 = tpu.vector_load %arg22[%swap3A_441, %swap3A_442] {strides = array<i32>} : memref<64x128xf32, #tpu.memory_space<vmem>>, vector<16xf32>,
        tpu.vector_store %arg22[%swap3A_441, %swap3A_442], %mul3A_440 {strides = array<i32>} : memref<64x128xf32, #tpu.memory_space<vmem>>, vector<16xf32>,
      }
      %scan3A_193 = arith.constant 64 : i32
      "tpu.region"() ({
        %run_scoped3A = tpu.sem_alloc : memref<!tpu.dma_semaphore, #tpu.memory_space<semaphore_mem>>
        %dma_start3A_194 = arith.constant 0 : i32
        %dma_start3A_195 = arith.constant 0 : i32
        %dma_start3A_196 = tpu.memref_slice %arg25[%dma_start3A_194, %dma_start3A_195] : memref<10240x128xf32, #tpu.memory_space<vmem_shared>> -> memref<10240x128xf32, #tpu.memory_space<vmem_shared>>
        tpu.enqueue_indirect_dma source(%arg22 : memref<64x128xf32, #tpu.memory_space<vmem>>) target(%dma_start3A_196 : memref<10240x128xf32, #tpu.memory_space<vmem_shared>>) offsets(%arg17 : memref<64xi32, #tpu.memory_space<vmem>>) semaphore(%run_scoped3A : memref<!tpu.dma_semaphore, #tpu.memory_space<semaphore_mem>>) {add = true}
        %dma_wait3A_197 = arith.constant 0 : i32
        %dma_wait3A_198 = arith.constant 0 : i32
        %dma_wait3A_199 = tpu.memref_slice %arg25[%dma_wait3A_197, %dma_wait3A_198] : memref<10240x128xf32, #tpu.memory_space<vmem_shared>> -> memref<10240x128xf32, #tpu.memory_space<vmem_shared>>
        tpu.wait_indirect_dma semaphore(%run_scoped3A : memref<!tpu.dma_semaphore, #tpu.memory_space<semaphore_mem>>) src(%arg22 : memref<64x128xf32, #tpu.memory_space<vmem>>) dst(%dma_wait3A_199 : memref<10240x128xf32, #tpu.memory_space<vmem_shared>>)
        tpu.yield
      }) : () -> ()
    }
    %scan3A_14 = arith.constant 78 : i32
    %add3A_15 = arith.constant 9984 : i32
    %add3A_16 = arith.addi %mul3A_6, %add3A_15 : i32
    "tpu.region"() ({
      %run_scoped3A = tpu.sem_alloc : memref<!tpu.dma_semaphore, #tpu.memory_space<semaphore_mem>>
      %dma_start3A_48 = tpu.memref_slice %arg2[%add3A_16] : memref<320000xi32, #tpu.memory_space<hbm>> -> memref<16xi32, #tpu.memory_space<hbm>>
      %dma_start3A_49 = tpu.memref_slice %arg2[%add3A_16] : memref<320000xi32, #tpu.memory_space<hbm>> -> memref<16xi32, #tpu.memory_space<hbm>>
      tpu.enqueue_dma source(%dma_start3A_49 : memref<16xi32, #tpu.memory_space<hbm>>) target(%arg18 : memref<16xi32, #tpu.memory_space<vmem>>) target_semaphore(%run_scoped3A : memref<!tpu.dma_semaphore, #tpu.memory_space<semaphore_mem>>)
      %dma_wait3A_50 = tpu.memref_slice %arg2[%add3A_16] : memref<320000xi32, #tpu.memory_space<hbm>> -> memref<16xi32, #tpu.memory_space<hbm>>
      %dma_wait3A_51 = tpu.memref_slice %arg2[%add3A_16] : memref<320000xi32, #tpu.memory_space<hbm>> -> memref<16xi32, #tpu.memory_space<hbm>>
      tpu.wait_dma2 semaphore(%run_scoped3A : memref<!tpu.dma_semaphore, #tpu.memory_space<semaphore_mem>>) src(%dma_wait3A_51 : memref<16xi32, #tpu.memory_space<hbm>>) dst(%arg18 : memref<16xi32, #tpu.memory_space<vmem>>)
      tpu.yield
    }) : () -> ()
    "tpu.region"() ({
      %run_scoped3A = tpu.sem_alloc : memref<!tpu.dma_semaphore, #tpu.memory_space<semaphore_mem>>
      %dma_start3A_48 = tpu.memref_slice %arg3[%add3A_16] : memref<320000xi32, #tpu.memory_space<hbm>> -> memref<16xi32, #tpu.memory_space<hbm>>
      %dma_start3A_49 = tpu.memref_slice %arg3[%add3A_16] : memref<320000xi32, #tpu.memory_space<hbm>> -> memref<16xi32, #tpu.memory_space<hbm>>
      tpu.enqueue_dma source(%dma_start3A_49 : memref<16xi32, #tpu.memory_space<hbm>>) target(%arg19 : memref<16xi32, #tpu.memory_space<vmem>>) target_semaphore(%run_scoped3A : memref<!tpu.dma_semaphore, #tpu.memory_space<semaphore_mem>>)
      %dma_wait3A_50 = tpu.memref_slice %arg3[%add3A_16] : memref<320000xi32, #tpu.memory_space<hbm>> -> memref<16xi32, #tpu.memory_space<hbm>>
      %dma_wait3A_51 = tpu.memref_slice %arg3[%add3A_16] : memref<320000xi32, #tpu.memory_space<hbm>> -> memref<16xi32, #tpu.memory_space<hbm>>
      tpu.wait_dma2 semaphore(%run_scoped3A : memref<!tpu.dma_semaphore, #tpu.memory_space<semaphore_mem>>) src(%dma_wait3A_51 : memref<16xi32, #tpu.memory_space<hbm>>) dst(%arg19 : memref<16xi32, #tpu.memory_space<vmem>>)
      tpu.yield
    }) : () -> ()
    %dma_start3A_17 = arith.constant 0 : i32
    %dma_start3A_18 = arith.constant 0 : i32
    %dma_start3A_19 = tpu.memref_slice %arg21[%dma_start3A_17, %dma_start3A_18] : memref<64x128xf32, #tpu.memory_space<vmem>> -> memref<16x128xf32, #tpu.memory_space<vmem>>
    %dma_start3A_20 = arith.constant 0 : i32
    %dma_start3A_21 = arith.constant 0 : i32
    %dma_start3A_22 = tpu.memref_slice %arg6[%dma_start3A_20, %dma_start3A_21] : memref<10000x128xf32, #tpu.memory_space<hbm>> -> memref<10000x128xf32, #tpu.memory_space<hbm>>
    tpu.enqueue_indirect_dma source(%dma_start3A_22 : memref<10000x128xf32, #tpu.memory_space<hbm>>) target(%dma_start3A_19 : memref<16x128xf32, #tpu.memory_space<vmem>>) offsets(%arg18 : memref<16xi32, #tpu.memory_space<vmem>>) semaphore(%arg23 : memref<!tpu.dma_semaphore, #tpu.memory_space<semaphore_mem>>)
    %get3A = arith.constant 0 : index
    %get3A_23 = tpu.vector_load %arg18[%get3A] {strides = array<i32>} : memref<16xi32, #tpu.memory_space<vmem>>, vector<16xi32>,
    %get3A_24 = arith.constant 0 : index
    %get3A_25 = tpu.vector_load %arg19[%get3A_24] {strides = array<i32>} : memref<16xi32, #tpu.memory_space<vmem>>, vector<16xi32>,
    %gather3A = tpu.vector_load_idx %arg11[%get3A_23] : memref<10000xf32, #tpu.memory_space<vmem>>[vector<16xi32>], vector<16xf32>,
    %gather3A_26 = tpu.vector_load_idx %arg12[%get3A_25] : memref<10000xf32, #tpu.memory_space<vmem>>[vector<16xi32>], vector<16xf32>,
    %add3A_27 = arith.addf %gather3A, %gather3A_26 : vector<16xf32>
    %mul3A_28 = arith.constant 0.00999999977 : f32
    %mul3A_29 = vector.broadcast %mul3A_28 : f32 to vector<16xf32>
    %mul3A_30 = arith.mulf %add3A_27, %mul3A_29 : vector<16xf32>
    %max3A = arith.maximumf %add3A_27, %mul3A_30 : vector<16xf32>
    %exp3A = math.exp %max3A : vector<16xf32>
    %swap3A = arith.constant 0 : index
    %swap3A_31 = tpu.vector_load %arg20[%swap3A] {strides = array<i32>} : memref<64xf32, #tpu.memory_space<vmem>>, vector<16xf32>,
    tpu.vector_store %arg20[%swap3A], %exp3A {strides = array<i32>} : memref<64xf32, #tpu.memory_space<vmem>>, vector<16xf32>,
    tpu.vector_store_idx %arg13[%get3A_25], %exp3A {add = true} : memref<10000xf32, #tpu.memory_space<vmem>>[vector<16xi32>], vector<16xf32>,
    %dma_wait3A = arith.constant 0 : i32
    %dma_wait3A_32 = arith.constant 0 : i32
    %dma_wait3A_33 = tpu.memref_slice %arg21[%dma_wait3A, %dma_wait3A_32] : memref<64x128xf32, #tpu.memory_space<vmem>> -> memref<16x128xf32, #tpu.memory_space<vmem>>
    %dma_wait3A_34 = arith.constant 0 : i32
    %dma_wait3A_35 = arith.constant 0 : i32
    %dma_wait3A_36 = tpu.memref_slice %arg6[%dma_wait3A_34, %dma_wait3A_35] : memref<10000x128xf32, #tpu.memory_space<hbm>> -> memref<10000x128xf32, #tpu.memory_space<hbm>>
    tpu.wait_indirect_dma semaphore(%arg23 : memref<!tpu.dma_semaphore, #tpu.memory_space<semaphore_mem>>) src(%dma_wait3A_36 : memref<10000x128xf32, #tpu.memory_space<hbm>>) dst(%dma_wait3A_33 : memref<16x128xf32, #tpu.memory_space<vmem>>)
    %scan3A_37 = arith.constant 0 : i32
    %scan3A_38 = arith.constant 0 : i32
    %scan3A_39 = arith.constant 16 : i32
    %scan3A_40 = arith.addi %scan3A_38, %scan3A_39 : i32
    %scan3A_41 = arith.constant 4 : i32
    scf.for %scan3A_48 = %scan3A_38 to %scan3A_40 step %scan3A_41  : i32 {
      %broadcast_in_dim3A = arith.constant 0 : i32
      %broadcast_in_dim3A_49 = vector.broadcast %broadcast_in_dim3A : i32 to vector<16xi32>
      %add3A_50 = vector.broadcast %scan3A_48 : i32 to vector<16xi32>
      %add3A_51 = arith.addi %broadcast_in_dim3A_49, %add3A_50 : vector<16xi32>
      %gather3A_52 = tpu.vector_load_idx %arg20[%add3A_51] : memref<64xf32, #tpu.memory_space<vmem>>[vector<16xi32>], vector<16xf32>,
      %get3A_53 = arith.index_cast %scan3A_48 : i32 to index
      %get3A_54 = arith.constant 0 : index
      %get3A_55 = tpu.vector_load %arg21[%get3A_53, %get3A_54] {strides = array<i32>} : memref<64x128xf32, #tpu.memory_space<vmem>>, vector<16xf32>,
      %mul3A_56 = arith.mulf %get3A_55, %gather3A_52 : vector<16xf32>
      %swap3A_57 = arith.index_cast %scan3A_48 : i32 to index
      %swap3A_58 = arith.constant 0 : index
      %swap3A_59 = tpu.vector_load %arg21[%swap3A_57, %swap3A_58] {strides = array<i32>} : memref<64x128xf32, #tpu.memory_space<vmem>>, vector<16xf32>,
      tpu.vector_store %arg21[%swap3A_57, %swap3A_58], %mul3A_56 {strides = array<i32>} : memref<64x128xf32, #tpu.memory_space<vmem>>, vector<16xf32>,
      %get3A_60 = arith.index_cast %scan3A_48 : i32 to index
      %get3A_61 = arith.constant 16 : index
      %get3A_62 = tpu.vector_load %arg21[%get3A_60, %get3A_61] {strides = array<i32>} : memref<64x128xf32, #tpu.memory_space<vmem>>, vector<16xf32>,
      %mul3A_63 = arith.mulf %get3A_62, %gather3A_52 : vector<16xf32>
      %swap3A_64 = arith.index_cast %scan3A_48 : i32 to index
      %swap3A_65 = arith.constant 16 : index
      %swap3A_66 = tpu.vector_load %arg21[%swap3A_64, %swap3A_65] {strides = array<i32>} : memref<64x128xf32, #tpu.memory_space<vmem>>, vector<16xf32>,
      tpu.vector_store %arg21[%swap3A_64, %swap3A_65], %mul3A_63 {strides = array<i32>} : memref<64x128xf32, #tpu.memory_space<vmem>>, vector<16xf32>,
      %get3A_67 = arith.index_cast %scan3A_48 : i32 to index
      %get3A_68 = arith.constant 32 : index
      %get3A_69 = tpu.vector_load %arg21[%get3A_67, %get3A_68] {strides = array<i32>} : memref<64x128xf32, #tpu.memory_space<vmem>>, vector<16xf32>,
      %mul3A_70 = arith.mulf %get3A_69, %gather3A_52 : vector<16xf32>
      %swap3A_71 = arith.index_cast %scan3A_48 : i32 to index
      %swap3A_72 = arith.constant 32 : index
      %swap3A_73 = tpu.vector_load %arg21[%swap3A_71, %swap3A_72] {strides = array<i32>} : memref<64x128xf32, #tpu.memory_space<vmem>>, vector<16xf32>,
      tpu.vector_store %arg21[%swap3A_71, %swap3A_72], %mul3A_70 {strides = array<i32>} : memref<64x128xf32, #tpu.memory_space<vmem>>, vector<16xf32>,
      %get3A_74 = arith.index_cast %scan3A_48 : i32 to index
      %get3A_75 = arith.constant 48 : index
      %get3A_76 = tpu.vector_load %arg21[%get3A_74, %get3A_75] {strides = array<i32>} : memref<64x128xf32, #tpu.memory_space<vmem>>, vector<16xf32>,
      %mul3A_77 = arith.mulf %get3A_76, %gather3A_52 : vector<16xf32>
      %swap3A_78 = arith.index_cast %scan3A_48 : i32 to index
      %swap3A_79 = arith.constant 48 : index
      %swap3A_80 = tpu.vector_load %arg21[%swap3A_78, %swap3A_79] {strides = array<i32>} : memref<64x128xf32, #tpu.memory_space<vmem>>, vector<16xf32>,
      tpu.vector_store %arg21[%swap3A_78, %swap3A_79], %mul3A_77 {strides = array<i32>} : memref<64x128xf32, #tpu.memory_space<vmem>>, vector<16xf32>,
      %get3A_81 = arith.index_cast %scan3A_48 : i32 to index
      %get3A_82 = arith.constant 64 : index
      %get3A_83 = tpu.vector_load %arg21[%get3A_81, %get3A_82] {strides = array<i32>} : memref<64x128xf32, #tpu.memory_space<vmem>>, vector<16xf32>,
      %mul3A_84 = arith.mulf %get3A_83, %gather3A_52 : vector<16xf32>
      %swap3A_85 = arith.index_cast %scan3A_48 : i32 to index
      %swap3A_86 = arith.constant 64 : index
      %swap3A_87 = tpu.vector_load %arg21[%swap3A_85, %swap3A_86] {strides = array<i32>} : memref<64x128xf32, #tpu.memory_space<vmem>>, vector<16xf32>,
      tpu.vector_store %arg21[%swap3A_85, %swap3A_86], %mul3A_84 {strides = array<i32>} : memref<64x128xf32, #tpu.memory_space<vmem>>, vector<16xf32>,
      %get3A_88 = arith.index_cast %scan3A_48 : i32 to index
      %get3A_89 = arith.constant 80 : index
      %get3A_90 = tpu.vector_load %arg21[%get3A_88, %get3A_89] {strides = array<i32>} : memref<64x128xf32, #tpu.memory_space<vmem>>, vector<16xf32>,
      %mul3A_91 = arith.mulf %get3A_90, %gather3A_52 : vector<16xf32>
      %swap3A_92 = arith.index_cast %scan3A_48 : i32 to index
      %swap3A_93 = arith.constant 80 : index
      %swap3A_94 = tpu.vector_load %arg21[%swap3A_92, %swap3A_93] {strides = array<i32>} : memref<64x128xf32, #tpu.memory_space<vmem>>, vector<16xf32>,
      tpu.vector_store %arg21[%swap3A_92, %swap3A_93], %mul3A_91 {strides = array<i32>} : memref<64x128xf32, #tpu.memory_space<vmem>>, vector<16xf32>,
      %get3A_95 = arith.index_cast %scan3A_48 : i32 to index
      %get3A_96 = arith.constant 96 : index
      %get3A_97 = tpu.vector_load %arg21[%get3A_95, %get3A_96] {strides = array<i32>} : memref<64x128xf32, #tpu.memory_space<vmem>>, vector<16xf32>,
      %mul3A_98 = arith.mulf %get3A_97, %gather3A_52 : vector<16xf32>
      %swap3A_99 = arith.index_cast %scan3A_48 : i32 to index
      %swap3A_100 = arith.constant 96 : index
      %swap3A_101 = tpu.vector_load %arg21[%swap3A_99, %swap3A_100] {strides = array<i32>} : memref<64x128xf32, #tpu.memory_space<vmem>>, vector<16xf32>,
      tpu.vector_store %arg21[%swap3A_99, %swap3A_100], %mul3A_98 {strides = array<i32>} : memref<64x128xf32, #tpu.memory_space<vmem>>, vector<16xf32>,
      %get3A_102 = arith.index_cast %scan3A_48 : i32 to index
      %get3A_103 = arith.constant 112 : index
      %get3A_104 = tpu.vector_load %arg21[%get3A_102, %get3A_103] {strides = array<i32>} : memref<64x128xf32, #tpu.memory_space<vmem>>, vector<16xf32>,
      %mul3A_105 = arith.mulf %get3A_104, %gather3A_52 : vector<16xf32>
      %swap3A_106 = arith.index_cast %scan3A_48 : i32 to index
      %swap3A_107 = arith.constant 112 : index
      %swap3A_108 = tpu.vector_load %arg21[%swap3A_106, %swap3A_107] {strides = array<i32>} : memref<64x128xf32, #tpu.memory_space<vmem>>, vector<16xf32>,
      tpu.vector_store %arg21[%swap3A_106, %swap3A_107], %mul3A_105 {strides = array<i32>} : memref<64x128xf32, #tpu.memory_space<vmem>>, vector<16xf32>,
      %scan3A_109 = arith.constant 1 : i32
      %scan3A_110 = arith.addi %scan3A_48, %scan3A_109 : i32
      %broadcast_in_dim3A_111 = arith.constant 0 : i32
      %broadcast_in_dim3A_112 = vector.broadcast %broadcast_in_dim3A_111 : i32 to vector<16xi32>
      %add3A_113 = vector.broadcast %scan3A_110 : i32 to vector<16xi32>
      %add3A_114 = arith.addi %broadcast_in_dim3A_112, %add3A_113 : vector<16xi32>
      %gather3A_115 = tpu.vector_load_idx %arg20[%add3A_114] : memref<64xf32, #tpu.memory_space<vmem>>[vector<16xi32>], vector<16xf32>,
      %get3A_116 = arith.index_cast %scan3A_110 : i32 to index
      %get3A_117 = arith.constant 0 : index
      %get3A_118 = tpu.vector_load %arg21[%get3A_116, %get3A_117] {strides = array<i32>} : memref<64x128xf32, #tpu.memory_space<vmem>>, vector<16xf32>,
      %mul3A_119 = arith.mulf %get3A_118, %gather3A_115 : vector<16xf32>
      %swap3A_120 = arith.index_cast %scan3A_110 : i32 to index
      %swap3A_121 = arith.constant 0 : index
      %swap3A_122 = tpu.vector_load %arg21[%swap3A_120, %swap3A_121] {strides = array<i32>} : memref<64x128xf32, #tpu.memory_space<vmem>>, vector<16xf32>,
      tpu.vector_store %arg21[%swap3A_120, %swap3A_121], %mul3A_119 {strides = array<i32>} : memref<64x128xf32, #tpu.memory_space<vmem>>, vector<16xf32>,
      %get3A_123 = arith.index_cast %scan3A_110 : i32 to index
      %get3A_124 = arith.constant 16 : index
      %get3A_125 = tpu.vector_load %arg21[%get3A_123, %get3A_124] {strides = array<i32>} : memref<64x128xf32, #tpu.memory_space<vmem>>, vector<16xf32>,
      %mul3A_126 = arith.mulf %get3A_125, %gather3A_115 : vector<16xf32>
      %swap3A_127 = arith.index_cast %scan3A_110 : i32 to index
      %swap3A_128 = arith.constant 16 : index
      %swap3A_129 = tpu.vector_load %arg21[%swap3A_127, %swap3A_128] {strides = array<i32>} : memref<64x128xf32, #tpu.memory_space<vmem>>, vector<16xf32>,
      tpu.vector_store %arg21[%swap3A_127, %swap3A_128], %mul3A_126 {strides = array<i32>} : memref<64x128xf32, #tpu.memory_space<vmem>>, vector<16xf32>,
      %get3A_130 = arith.index_cast %scan3A_110 : i32 to index
      %get3A_131 = arith.constant 32 : index
      %get3A_132 = tpu.vector_load %arg21[%get3A_130, %get3A_131] {strides = array<i32>} : memref<64x128xf32, #tpu.memory_space<vmem>>, vector<16xf32>,
      %mul3A_133 = arith.mulf %get3A_132, %gather3A_115 : vector<16xf32>
      %swap3A_134 = arith.index_cast %scan3A_110 : i32 to index
      %swap3A_135 = arith.constant 32 : index
      %swap3A_136 = tpu.vector_load %arg21[%swap3A_134, %swap3A_135] {strides = array<i32>} : memref<64x128xf32, #tpu.memory_space<vmem>>, vector<16xf32>,
      tpu.vector_store %arg21[%swap3A_134, %swap3A_135], %mul3A_133 {strides = array<i32>} : memref<64x128xf32, #tpu.memory_space<vmem>>, vector<16xf32>,
      %get3A_137 = arith.index_cast %scan3A_110 : i32 to index
      %get3A_138 = arith.constant 48 : index
      %get3A_139 = tpu.vector_load %arg21[%get3A_137, %get3A_138] {strides = array<i32>} : memref<64x128xf32, #tpu.memory_space<vmem>>, vector<16xf32>,
      %mul3A_140 = arith.mulf %get3A_139, %gather3A_115 : vector<16xf32>
      %swap3A_141 = arith.index_cast %scan3A_110 : i32 to index
      %swap3A_142 = arith.constant 48 : index
      %swap3A_143 = tpu.vector_load %arg21[%swap3A_141, %swap3A_142] {strides = array<i32>} : memref<64x128xf32, #tpu.memory_space<vmem>>, vector<16xf32>,
      tpu.vector_store %arg21[%swap3A_141, %swap3A_142], %mul3A_140 {strides = array<i32>} : memref<64x128xf32, #tpu.memory_space<vmem>>, vector<16xf32>,
      %get3A_144 = arith.index_cast %scan3A_110 : i32 to index
      %get3A_145 = arith.constant 64 : index
      %get3A_146 = tpu.vector_load %arg21[%get3A_144, %get3A_145] {strides = array<i32>} : memref<64x128xf32, #tpu.memory_space<vmem>>, vector<16xf32>,
      %mul3A_147 = arith.mulf %get3A_146, %gather3A_115 : vector<16xf32>
      %swap3A_148 = arith.index_cast %scan3A_110 : i32 to index
      %swap3A_149 = arith.constant 64 : index
      %swap3A_150 = tpu.vector_load %arg21[%swap3A_148, %swap3A_149] {strides = array<i32>} : memref<64x128xf32, #tpu.memory_space<vmem>>, vector<16xf32>,
      tpu.vector_store %arg21[%swap3A_148, %swap3A_149], %mul3A_147 {strides = array<i32>} : memref<64x128xf32, #tpu.memory_space<vmem>>, vector<16xf32>,
      %get3A_151 = arith.index_cast %scan3A_110 : i32 to index
      %get3A_152 = arith.constant 80 : index
      %get3A_153 = tpu.vector_load %arg21[%get3A_151, %get3A_152] {strides = array<i32>} : memref<64x128xf32, #tpu.memory_space<vmem>>, vector<16xf32>,
      %mul3A_154 = arith.mulf %get3A_153, %gather3A_115 : vector<16xf32>
      %swap3A_155 = arith.index_cast %scan3A_110 : i32 to index
      %swap3A_156 = arith.constant 80 : index
      %swap3A_157 = tpu.vector_load %arg21[%swap3A_155, %swap3A_156] {strides = array<i32>} : memref<64x128xf32, #tpu.memory_space<vmem>>, vector<16xf32>,
      tpu.vector_store %arg21[%swap3A_155, %swap3A_156], %mul3A_154 {strides = array<i32>} : memref<64x128xf32, #tpu.memory_space<vmem>>, vector<16xf32>,
      %get3A_158 = arith.index_cast %scan3A_110 : i32 to index
      %get3A_159 = arith.constant 96 : index
      %get3A_160 = tpu.vector_load %arg21[%get3A_158, %get3A_159] {strides = array<i32>} : memref<64x128xf32, #tpu.memory_space<vmem>>, vector<16xf32>,
      %mul3A_161 = arith.mulf %get3A_160, %gather3A_115 : vector<16xf32>
      %swap3A_162 = arith.index_cast %scan3A_110 : i32 to index
      %swap3A_163 = arith.constant 96 : index
      %swap3A_164 = tpu.vector_load %arg21[%swap3A_162, %swap3A_163] {strides = array<i32>} : memref<64x128xf32, #tpu.memory_space<vmem>>, vector<16xf32>,
      tpu.vector_store %arg21[%swap3A_162, %swap3A_163], %mul3A_161 {strides = array<i32>} : memref<64x128xf32, #tpu.memory_space<vmem>>, vector<16xf32>,
      %get3A_165 = arith.index_cast %scan3A_110 : i32 to index
      %get3A_166 = arith.constant 112 : index
      %get3A_167 = tpu.vector_load %arg21[%get3A_165, %get3A_166] {strides = array<i32>} : memref<64x128xf32, #tpu.memory_space<vmem>>, vector<16xf32>,
      %mul3A_168 = arith.mulf %get3A_167, %gather3A_115 : vector<16xf32>
      %swap3A_169 = arith.index_cast %scan3A_110 : i32 to index
      %swap3A_170 = arith.constant 112 : index
      %swap3A_171 = tpu.vector_load %arg21[%swap3A_169, %swap3A_170] {strides = array<i32>} : memref<64x128xf32, #tpu.memory_space<vmem>>, vector<16xf32>,
      tpu.vector_store %arg21[%swap3A_169, %swap3A_170], %mul3A_168 {strides = array<i32>} : memref<64x128xf32, #tpu.memory_space<vmem>>, vector<16xf32>,
      %scan3A_172 = arith.constant 2 : i32
      %scan3A_173 = arith.addi %scan3A_48, %scan3A_172 : i32
      %broadcast_in_dim3A_174 = arith.constant 0 : i32
      %broadcast_in_dim3A_175 = vector.broadcast %broadcast_in_dim3A_174 : i32 to vector<16xi32>
      %add3A_176 = vector.broadcast %scan3A_173 : i32 to vector<16xi32>
      %add3A_177 = arith.addi %broadcast_in_dim3A_175, %add3A_176 : vector<16xi32>
      %gather3A_178 = tpu.vector_load_idx %arg20[%add3A_177] : memref<64xf32, #tpu.memory_space<vmem>>[vector<16xi32>], vector<16xf32>,
      %get3A_179 = arith.index_cast %scan3A_173 : i32 to index
      %get3A_180 = arith.constant 0 : index
      %get3A_181 = tpu.vector_load %arg21[%get3A_179, %get3A_180] {strides = array<i32>} : memref<64x128xf32, #tpu.memory_space<vmem>>, vector<16xf32>,
      %mul3A_182 = arith.mulf %get3A_181, %gather3A_178 : vector<16xf32>
      %swap3A_183 = arith.index_cast %scan3A_173 : i32 to index
      %swap3A_184 = arith.constant 0 : index
      %swap3A_185 = tpu.vector_load %arg21[%swap3A_183, %swap3A_184] {strides = array<i32>} : memref<64x128xf32, #tpu.memory_space<vmem>>, vector<16xf32>,
      tpu.vector_store %arg21[%swap3A_183, %swap3A_184], %mul3A_182 {strides = array<i32>} : memref<64x128xf32, #tpu.memory_space<vmem>>, vector<16xf32>,
      %get3A_186 = arith.index_cast %scan3A_173 : i32 to index
      %get3A_187 = arith.constant 16 : index
      %get3A_188 = tpu.vector_load %arg21[%get3A_186, %get3A_187] {strides = array<i32>} : memref<64x128xf32, #tpu.memory_space<vmem>>, vector<16xf32>,
      %mul3A_189 = arith.mulf %get3A_188, %gather3A_178 : vector<16xf32>
      %swap3A_190 = arith.index_cast %scan3A_173 : i32 to index
      %swap3A_191 = arith.constant 16 : index
      %swap3A_192 = tpu.vector_load %arg21[%swap3A_190, %swap3A_191] {strides = array<i32>} : memref<64x128xf32, #tpu.memory_space<vmem>>, vector<16xf32>,
      tpu.vector_store %arg21[%swap3A_190, %swap3A_191], %mul3A_189 {strides = array<i32>} : memref<64x128xf32, #tpu.memory_space<vmem>>, vector<16xf32>,
      %get3A_193 = arith.index_cast %scan3A_173 : i32 to index
      %get3A_194 = arith.constant 32 : index
      %get3A_195 = tpu.vector_load %arg21[%get3A_193, %get3A_194] {strides = array<i32>} : memref<64x128xf32, #tpu.memory_space<vmem>>, vector<16xf32>,
      %mul3A_196 = arith.mulf %get3A_195, %gather3A_178 : vector<16xf32>
      %swap3A_197 = arith.index_cast %scan3A_173 : i32 to index
      %swap3A_198 = arith.constant 32 : index
      %swap3A_199 = tpu.vector_load %arg21[%swap3A_197, %swap3A_198] {strides = array<i32>} : memref<64x128xf32, #tpu.memory_space<vmem>>, vector<16xf32>,
      tpu.vector_store %arg21[%swap3A_197, %swap3A_198], %mul3A_196 {strides = array<i32>} : memref<64x128xf32, #tpu.memory_space<vmem>>, vector<16xf32>,
      %get3A_200 = arith.index_cast %scan3A_173 : i32 to index
      %get3A_201 = arith.constant 48 : index
      %get3A_202 = tpu.vector_load %arg21[%get3A_200, %get3A_201] {strides = array<i32>} : memref<64x128xf32, #tpu.memory_space<vmem>>, vector<16xf32>,
      %mul3A_203 = arith.mulf %get3A_202, %gather3A_178 : vector<16xf32>
      %swap3A_204 = arith.index_cast %scan3A_173 : i32 to index
      %swap3A_205 = arith.constant 48 : index
      %swap3A_206 = tpu.vector_load %arg21[%swap3A_204, %swap3A_205] {strides = array<i32>} : memref<64x128xf32, #tpu.memory_space<vmem>>, vector<16xf32>,
      tpu.vector_store %arg21[%swap3A_204, %swap3A_205], %mul3A_203 {strides = array<i32>} : memref<64x128xf32, #tpu.memory_space<vmem>>, vector<16xf32>,
      %get3A_207 = arith.index_cast %scan3A_173 : i32 to index
      %get3A_208 = arith.constant 64 : index
      %get3A_209 = tpu.vector_load %arg21[%get3A_207, %get3A_208] {strides = array<i32>} : memref<64x128xf32, #tpu.memory_space<vmem>>, vector<16xf32>,
      %mul3A_210 = arith.mulf %get3A_209, %gather3A_178 : vector<16xf32>
      %swap3A_211 = arith.index_cast %scan3A_173 : i32 to index
      %swap3A_212 = arith.constant 64 : index
      %swap3A_213 = tpu.vector_load %arg21[%swap3A_211, %swap3A_212] {strides = array<i32>} : memref<64x128xf32, #tpu.memory_space<vmem>>, vector<16xf32>,
      tpu.vector_store %arg21[%swap3A_211, %swap3A_212], %mul3A_210 {strides = array<i32>} : memref<64x128xf32, #tpu.memory_space<vmem>>, vector<16xf32>,
      %get3A_214 = arith.index_cast %scan3A_173 : i32 to index
      %get3A_215 = arith.constant 80 : index
      %get3A_216 = tpu.vector_load %arg21[%get3A_214, %get3A_215] {strides = array<i32>} : memref<64x128xf32, #tpu.memory_space<vmem>>, vector<16xf32>,
      %mul3A_217 = arith.mulf %get3A_216, %gather3A_178 : vector<16xf32>
      %swap3A_218 = arith.index_cast %scan3A_173 : i32 to index
      %swap3A_219 = arith.constant 80 : index
      %swap3A_220 = tpu.vector_load %arg21[%swap3A_218, %swap3A_219] {strides = array<i32>} : memref<64x128xf32, #tpu.memory_space<vmem>>, vector<16xf32>,
      tpu.vector_store %arg21[%swap3A_218, %swap3A_219], %mul3A_217 {strides = array<i32>} : memref<64x128xf32, #tpu.memory_space<vmem>>, vector<16xf32>,
      %get3A_221 = arith.index_cast %scan3A_173 : i32 to index
      %get3A_222 = arith.constant 96 : index
      %get3A_223 = tpu.vector_load %arg21[%get3A_221, %get3A_222] {strides = array<i32>} : memref<64x128xf32, #tpu.memory_space<vmem>>, vector<16xf32>,
      %mul3A_224 = arith.mulf %get3A_223, %gather3A_178 : vector<16xf32>
      %swap3A_225 = arith.index_cast %scan3A_173 : i32 to index
      %swap3A_226 = arith.constant 96 : index
      %swap3A_227 = tpu.vector_load %arg21[%swap3A_225, %swap3A_226] {strides = array<i32>} : memref<64x128xf32, #tpu.memory_space<vmem>>, vector<16xf32>,
      tpu.vector_store %arg21[%swap3A_225, %swap3A_226], %mul3A_224 {strides = array<i32>} : memref<64x128xf32, #tpu.memory_space<vmem>>, vector<16xf32>,
      %get3A_228 = arith.index_cast %scan3A_173 : i32 to index
      %get3A_229 = arith.constant 112 : index
      %get3A_230 = tpu.vector_load %arg21[%get3A_228, %get3A_229] {strides = array<i32>} : memref<64x128xf32, #tpu.memory_space<vmem>>, vector<16xf32>,
      %mul3A_231 = arith.mulf %get3A_230, %gather3A_178 : vector<16xf32>
      %swap3A_232 = arith.index_cast %scan3A_173 : i32 to index
      %swap3A_233 = arith.constant 112 : index
      %swap3A_234 = tpu.vector_load %arg21[%swap3A_232, %swap3A_233] {strides = array<i32>} : memref<64x128xf32, #tpu.memory_space<vmem>>, vector<16xf32>,
      tpu.vector_store %arg21[%swap3A_232, %swap3A_233], %mul3A_231 {strides = array<i32>} : memref<64x128xf32, #tpu.memory_space<vmem>>, vector<16xf32>,
      %scan3A_235 = arith.constant 3 : i32
      %scan3A_236 = arith.addi %scan3A_48, %scan3A_235 : i32
      %broadcast_in_dim3A_237 = arith.constant 0 : i32
      %broadcast_in_dim3A_238 = vector.broadcast %broadcast_in_dim3A_237 : i32 to vector<16xi32>
      %add3A_239 = vector.broadcast %scan3A_236 : i32 to vector<16xi32>
      %add3A_240 = arith.addi %broadcast_in_dim3A_238, %add3A_239 : vector<16xi32>
      %gather3A_241 = tpu.vector_load_idx %arg20[%add3A_240] : memref<64xf32, #tpu.memory_space<vmem>>[vector<16xi32>], vector<16xf32>,
      %get3A_242 = arith.index_cast %scan3A_236 : i32 to index
      %get3A_243 = arith.constant 0 : index
      %get3A_244 = tpu.vector_load %arg21[%get3A_242, %get3A_243] {strides = array<i32>} : memref<64x128xf32, #tpu.memory_space<vmem>>, vector<16xf32>,
      %mul3A_245 = arith.mulf %get3A_244, %gather3A_241 : vector<16xf32>
      %swap3A_246 = arith.index_cast %scan3A_236 : i32 to index
      %swap3A_247 = arith.constant 0 : index
      %swap3A_248 = tpu.vector_load %arg21[%swap3A_246, %swap3A_247] {strides = array<i32>} : memref<64x128xf32, #tpu.memory_space<vmem>>, vector<16xf32>,
      tpu.vector_store %arg21[%swap3A_246, %swap3A_247], %mul3A_245 {strides = array<i32>} : memref<64x128xf32, #tpu.memory_space<vmem>>, vector<16xf32>,
      %get3A_249 = arith.index_cast %scan3A_236 : i32 to index
      %get3A_250 = arith.constant 16 : index
      %get3A_251 = tpu.vector_load %arg21[%get3A_249, %get3A_250] {strides = array<i32>} : memref<64x128xf32, #tpu.memory_space<vmem>>, vector<16xf32>,
      %mul3A_252 = arith.mulf %get3A_251, %gather3A_241 : vector<16xf32>
      %swap3A_253 = arith.index_cast %scan3A_236 : i32 to index
      %swap3A_254 = arith.constant 16 : index
      %swap3A_255 = tpu.vector_load %arg21[%swap3A_253, %swap3A_254] {strides = array<i32>} : memref<64x128xf32, #tpu.memory_space<vmem>>, vector<16xf32>,
      tpu.vector_store %arg21[%swap3A_253, %swap3A_254], %mul3A_252 {strides = array<i32>} : memref<64x128xf32, #tpu.memory_space<vmem>>, vector<16xf32>,
      %get3A_256 = arith.index_cast %scan3A_236 : i32 to index
      %get3A_257 = arith.constant 32 : index
      %get3A_258 = tpu.vector_load %arg21[%get3A_256, %get3A_257] {strides = array<i32>} : memref<64x128xf32, #tpu.memory_space<vmem>>, vector<16xf32>,
      %mul3A_259 = arith.mulf %get3A_258, %gather3A_241 : vector<16xf32>
      %swap3A_260 = arith.index_cast %scan3A_236 : i32 to index
      %swap3A_261 = arith.constant 32 : index
      %swap3A_262 = tpu.vector_load %arg21[%swap3A_260, %swap3A_261] {strides = array<i32>} : memref<64x128xf32, #tpu.memory_space<vmem>>, vector<16xf32>,
      tpu.vector_store %arg21[%swap3A_260, %swap3A_261], %mul3A_259 {strides = array<i32>} : memref<64x128xf32, #tpu.memory_space<vmem>>, vector<16xf32>,
      %get3A_263 = arith.index_cast %scan3A_236 : i32 to index
      %get3A_264 = arith.constant 48 : index
      %get3A_265 = tpu.vector_load %arg21[%get3A_263, %get3A_264] {strides = array<i32>} : memref<64x128xf32, #tpu.memory_space<vmem>>, vector<16xf32>,
      %mul3A_266 = arith.mulf %get3A_265, %gather3A_241 : vector<16xf32>
      %swap3A_267 = arith.index_cast %scan3A_236 : i32 to index
      %swap3A_268 = arith.constant 48 : index
      %swap3A_269 = tpu.vector_load %arg21[%swap3A_267, %swap3A_268] {strides = array<i32>} : memref<64x128xf32, #tpu.memory_space<vmem>>, vector<16xf32>,
      tpu.vector_store %arg21[%swap3A_267, %swap3A_268], %mul3A_266 {strides = array<i32>} : memref<64x128xf32, #tpu.memory_space<vmem>>, vector<16xf32>,
      %get3A_270 = arith.index_cast %scan3A_236 : i32 to index
      %get3A_271 = arith.constant 64 : index
      %get3A_272 = tpu.vector_load %arg21[%get3A_270, %get3A_271] {strides = array<i32>} : memref<64x128xf32, #tpu.memory_space<vmem>>, vector<16xf32>,
      %mul3A_273 = arith.mulf %get3A_272, %gather3A_241 : vector<16xf32>
      %swap3A_274 = arith.index_cast %scan3A_236 : i32 to index
      %swap3A_275 = arith.constant 64 : index
      %swap3A_276 = tpu.vector_load %arg21[%swap3A_274, %swap3A_275] {strides = array<i32>} : memref<64x128xf32, #tpu.memory_space<vmem>>, vector<16xf32>,
      tpu.vector_store %arg21[%swap3A_274, %swap3A_275], %mul3A_273 {strides = array<i32>} : memref<64x128xf32, #tpu.memory_space<vmem>>, vector<16xf32>,
      %get3A_277 = arith.index_cast %scan3A_236 : i32 to index
      %get3A_278 = arith.constant 80 : index
      %get3A_279 = tpu.vector_load %arg21[%get3A_277, %get3A_278] {strides = array<i32>} : memref<64x128xf32, #tpu.memory_space<vmem>>, vector<16xf32>,
      %mul3A_280 = arith.mulf %get3A_279, %gather3A_241 : vector<16xf32>
      %swap3A_281 = arith.index_cast %scan3A_236 : i32 to index
      %swap3A_282 = arith.constant 80 : index
      %swap3A_283 = tpu.vector_load %arg21[%swap3A_281, %swap3A_282] {strides = array<i32>} : memref<64x128xf32, #tpu.memory_space<vmem>>, vector<16xf32>,
      tpu.vector_store %arg21[%swap3A_281, %swap3A_282], %mul3A_280 {strides = array<i32>} : memref<64x128xf32, #tpu.memory_space<vmem>>, vector<16xf32>,
      %get3A_284 = arith.index_cast %scan3A_236 : i32 to index
      %get3A_285 = arith.constant 96 : index
      %get3A_286 = tpu.vector_load %arg21[%get3A_284, %get3A_285] {strides = array<i32>} : memref<64x128xf32, #tpu.memory_space<vmem>>, vector<16xf32>,
      %mul3A_287 = arith.mulf %get3A_286, %gather3A_241 : vector<16xf32>
      %swap3A_288 = arith.index_cast %scan3A_236 : i32 to index
      %swap3A_289 = arith.constant 96 : index
      %swap3A_290 = tpu.vector_load %arg21[%swap3A_288, %swap3A_289] {strides = array<i32>} : memref<64x128xf32, #tpu.memory_space<vmem>>, vector<16xf32>,
      tpu.vector_store %arg21[%swap3A_288, %swap3A_289], %mul3A_287 {strides = array<i32>} : memref<64x128xf32, #tpu.memory_space<vmem>>, vector<16xf32>,
      %get3A_291 = arith.index_cast %scan3A_236 : i32 to index
      %get3A_292 = arith.constant 112 : index
      %get3A_293 = tpu.vector_load %arg21[%get3A_291, %get3A_292] {strides = array<i32>} : memref<64x128xf32, #tpu.memory_space<vmem>>, vector<16xf32>,
      %mul3A_294 = arith.mulf %get3A_293, %gather3A_241 : vector<16xf32>
      %swap3A_295 = arith.index_cast %scan3A_236 : i32 to index
      %swap3A_296 = arith.constant 112 : index
      %swap3A_297 = tpu.vector_load %arg21[%swap3A_295, %swap3A_296] {strides = array<i32>} : memref<64x128xf32, #tpu.memory_space<vmem>>, vector<16xf32>,
      tpu.vector_store %arg21[%swap3A_295, %swap3A_296], %mul3A_294 {strides = array<i32>} : memref<64x128xf32, #tpu.memory_space<vmem>>, vector<16xf32>,
    }
    %scan3A_42 = arith.constant 16 : i32
    "tpu.region"() ({
      %run_scoped3A = tpu.sem_alloc : memref<!tpu.dma_semaphore, #tpu.memory_space<semaphore_mem>>
      %dma_start3A_48 = arith.constant 0 : i32
      %dma_start3A_49 = arith.constant 0 : i32
      %dma_start3A_50 = tpu.memref_slice %arg21[%dma_start3A_48, %dma_start3A_49] : memref<64x128xf32, #tpu.memory_space<vmem>> -> memref<16x128xf32, #tpu.memory_space<vmem>>
      %dma_start3A_51 = arith.constant 0 : i32
      %dma_start3A_52 = arith.constant 0 : i32
      %dma_start3A_53 = tpu.memref_slice %arg25[%dma_start3A_51, %dma_start3A_52] : memref<10240x128xf32, #tpu.memory_space<vmem_shared>> -> memref<10240x128xf32, #tpu.memory_space<vmem_shared>>
      tpu.enqueue_indirect_dma source(%dma_start3A_50 : memref<16x128xf32, #tpu.memory_space<vmem>>) target(%dma_start3A_53 : memref<10240x128xf32, #tpu.memory_space<vmem_shared>>) offsets(%arg19 : memref<16xi32, #tpu.memory_space<vmem>>) semaphore(%run_scoped3A : memref<!tpu.dma_semaphore, #tpu.memory_space<semaphore_mem>>) {add = true}
      %dma_wait3A_54 = arith.constant 0 : i32
      %dma_wait3A_55 = arith.constant 0 : i32
      %dma_wait3A_56 = tpu.memref_slice %arg21[%dma_wait3A_54, %dma_wait3A_55] : memref<64x128xf32, #tpu.memory_space<vmem>> -> memref<16x128xf32, #tpu.memory_space<vmem>>
      %dma_wait3A_57 = arith.constant 0 : i32
      %dma_wait3A_58 = arith.constant 0 : i32
      %dma_wait3A_59 = tpu.memref_slice %arg25[%dma_wait3A_57, %dma_wait3A_58] : memref<10240x128xf32, #tpu.memory_space<vmem_shared>> -> memref<10240x128xf32, #tpu.memory_space<vmem_shared>>
      tpu.wait_indirect_dma semaphore(%run_scoped3A : memref<!tpu.dma_semaphore, #tpu.memory_space<semaphore_mem>>) src(%dma_wait3A_56 : memref<16x128xf32, #tpu.memory_space<vmem>>) dst(%dma_wait3A_59 : memref<10240x128xf32, #tpu.memory_space<vmem_shared>>)
      tpu.yield
    }) : () -> ()
    "tpu.region"() ({
      %run_scoped3A = tpu.sem_alloc : memref<!tpu.dma_semaphore, #tpu.memory_space<semaphore_mem>>
      %dma_start3A_48 = arith.constant 0 : i32
      %dma_start3A_49 = tpu.memref_slice %arg10[%add3A, %dma_start3A_48] : memref<32x10000xf32, #tpu.memory_space<hbm>> -> memref<1x10000xf32, #tpu.memory_space<hbm>>
      %dma_start3A_50 = tpu.memref_squeeze %dma_start3A_49 : memref<1x10000xf32, #tpu.memory_space<hbm>> -> memref<10000xf32, #tpu.memory_space<hbm>>
      %dma_start3A_51 = arith.constant 0 : i32
      %dma_start3A_52 = tpu.memref_slice %arg10[%add3A, %dma_start3A_51] : memref<32x10000xf32, #tpu.memory_space<hbm>> -> memref<1x10000xf32, #tpu.memory_space<hbm>>
      %dma_start3A_53 = tpu.memref_squeeze %dma_start3A_52 : memref<1x10000xf32, #tpu.memory_space<hbm>> -> memref<10000xf32, #tpu.memory_space<hbm>>
      tpu.enqueue_dma source(%arg13 : memref<10000xf32, #tpu.memory_space<vmem>>) target(%dma_start3A_53 : memref<10000xf32, #tpu.memory_space<hbm>>) target_semaphore(%run_scoped3A : memref<!tpu.dma_semaphore, #tpu.memory_space<semaphore_mem>>)
      %dma_wait3A_54 = arith.constant 0 : i32
      %dma_wait3A_55 = tpu.memref_slice %arg10[%add3A, %dma_wait3A_54] : memref<32x10000xf32, #tpu.memory_space<hbm>> -> memref<1x10000xf32, #tpu.memory_space<hbm>>
      %dma_wait3A_56 = tpu.memref_squeeze %dma_wait3A_55 : memref<1x10000xf32, #tpu.memory_space<hbm>> -> memref<10000xf32, #tpu.memory_space<hbm>>
      %dma_wait3A_57 = arith.constant 0 : i32
      %dma_wait3A_58 = tpu.memref_slice %arg10[%add3A, %dma_wait3A_57] : memref<32x10000xf32, #tpu.memory_space<hbm>> -> memref<1x10000xf32, #tpu.memory_space<hbm>>
      %dma_wait3A_59 = tpu.memref_squeeze %dma_wait3A_58 : memref<1x10000xf32, #tpu.memory_space<hbm>> -> memref<10000xf32, #tpu.memory_space<hbm>>
      tpu.wait_dma2 semaphore(%run_scoped3A : memref<!tpu.dma_semaphore, #tpu.memory_space<semaphore_mem>>) src(%arg13 : memref<10000xf32, #tpu.memory_space<vmem>>) dst(%dma_wait3A_59 : memref<10000xf32, #tpu.memory_space<hbm>>)
      tpu.yield
    }) : () -> ()
    %barrier3A_43 = arith.constant 0 : index
    tpu.barrier barrier_id(%barrier3A_43)
    %mul3A_44 = arith.constant 640 : i32
    %mul3A_45 = arith.muli %arg1, %mul3A_44 : i32
    %mul3A_46 = arith.constant 640 : i32
    %mul3A_47 = arith.muli %arg1, %mul3A_46 : i32
    "tpu.region"() ({
      %run_scoped3A = tpu.sem_alloc : memref<!tpu.dma_semaphore, #tpu.memory_space<semaphore_mem>>
      %dma_start3A_48 = arith.constant 0 : i32
      %dma_start3A_49 = tpu.memref_slice %arg9[%arg0, %mul3A_47, %dma_start3A_48] : memref<2x10240x128xf32, #tpu.memory_space<hbm>> -> memref<1x640x128xf32, #tpu.memory_space<hbm>>
      %dma_start3A_50 = tpu.memref_squeeze %dma_start3A_49 : memref<1x640x128xf32, #tpu.memory_space<hbm>> -> memref<640x128xf32, #tpu.memory_space<hbm>>
      %dma_start3A_51 = arith.constant 0 : i32
      %dma_start3A_52 = tpu.memref_slice %arg25[%mul3A_45, %dma_start3A_51] : memref<10240x128xf32, #tpu.memory_space<vmem_shared>> -> memref<640x128xf32, #tpu.memory_space<vmem_shared>>
      tpu.enqueue_dma source(%dma_start3A_52 : memref<640x128xf32, #tpu.memory_space<vmem_shared>>) target(%dma_start3A_50 : memref<640x128xf32, #tpu.memory_space<hbm>>) target_semaphore(%run_scoped3A : memref<!tpu.dma_semaphore, #tpu.memory_space<semaphore_mem>>)
      %dma_wait3A_53 = arith.constant 0 : i32
      %dma_wait3A_54 = tpu.memref_slice %arg9[%arg0, %mul3A_47, %dma_wait3A_53] : memref<2x10240x128xf32, #tpu.memory_space<hbm>> -> memref<1x640x128xf32, #tpu.memory_space<hbm>>
      %dma_wait3A_55 = tpu.memref_squeeze %dma_wait3A_54 : memref<1x640x128xf32, #tpu.memory_space<hbm>> -> memref<640x128xf32, #tpu.memory_space<hbm>>
      %dma_wait3A_56 = arith.constant 0 : i32
      %dma_wait3A_57 = tpu.memref_slice %arg25[%mul3A_45, %dma_wait3A_56] : memref<10240x128xf32, #tpu.memory_space<vmem_shared>> -> memref<640x128xf32, #tpu.memory_space<vmem_shared>>
      tpu.wait_dma2 semaphore(%run_scoped3A : memref<!tpu.dma_semaphore, #tpu.memory_space<semaphore_mem>>) src(%dma_wait3A_57 : memref<640x128xf32, #tpu.memory_space<vmem_shared>>) dst(%dma_wait3A_55 : memref<640x128xf32, #tpu.memory_space<hbm>>)
      tpu.yield
    }) : () -> ()
    return
  }
}

module attributes {stable_mosaic.version = 14 : i64} {
  func.func @_tc_pre(%arg0: memref<10000x128xf32, #tpu.memory_space<vmem>>, %arg1: memref<128x128xf32, #tpu.memory_space<vmem>>, %arg2: memref<128x128xf32, #tpu.memory_space<vmem>>, %arg3: memref<10000x128xf32, #tpu.memory_space<vmem>>, %arg4: memref<10000x128xf32, #tpu.memory_space<vmem>>) attributes {dimension_semantics = [], scalar_prefetch = 0 : i64, scratch_operands = 0 : i64, tpu.core_type = #tpu.core_type<tc>} {
    %get3A = arith.constant 0 : index
    %get3A_0 = arith.constant 0 : index
    %get3A_1 = vector.load %arg0[%get3A, %get3A_0] : memref<10000x128xf32, #tpu.memory_space<vmem>>, vector<10000x128xf32>
    %get3A_2 = arith.constant 0 : index
    %get3A_3 = arith.constant 0 : index
    %get3A_4 = vector.load %arg1[%get3A_2, %get3A_3] : memref<128x128xf32, #tpu.memory_space<vmem>>, vector<128x128xf32>
    %dot_general3A = arith.constant dense<0.000000e+00> : vector<10000x128xf32>
    %dot_general3A_5 = tpu.matmul %get3A_1, %get3A_4, %dot_general3A {dimension_numbers = #tpu.dot_dimension_numbers<[1], [0], [0], [1], [0, 0, 1, 1], [], []>, transpose_lhs_hint = false} : vector<10000x128xf32>, vector<128x128xf32>, vector<10000x128xf32> -> vector<10000x128xf32>
    %swap3A = arith.constant 0 : index
    %swap3A_6 = arith.constant 0 : index
    %swap3A_7 = vector.load %arg3[%swap3A, %swap3A_6] : memref<10000x128xf32, #tpu.memory_space<vmem>>, vector<10000x128xf32>
    tpu.vector_store %arg3[%swap3A, %swap3A_6], %dot_general3A_5 {strides = array<i32>} : memref<10000x128xf32, #tpu.memory_space<vmem>>, vector<10000x128xf32>,
    %get3A_8 = arith.constant 0 : index
    %get3A_9 = arith.constant 0 : index
    %get3A_10 = vector.load %arg2[%get3A_8, %get3A_9] : memref<128x128xf32, #tpu.memory_space<vmem>>, vector<128x128xf32>
    %dot_general3A_11 = arith.constant dense<0.000000e+00> : vector<10000x128xf32>
    %dot_general3A_12 = tpu.matmul %dot_general3A_5, %get3A_10, %dot_general3A_11 {dimension_numbers = #tpu.dot_dimension_numbers<[1], [0], [0], [1], [0, 0, 1, 1], [], []>, transpose_lhs_hint = false} : vector<10000x128xf32>, vector<128x128xf32>, vector<10000x128xf32> -> vector<10000x128xf32>
    %swap3A_13 = arith.constant 0 : index
    %swap3A_14 = arith.constant 0 : index
    %swap3A_15 = vector.load %arg4[%swap3A_13, %swap3A_14] : memref<10000x128xf32, #tpu.memory_space<vmem>>, vector<10000x128xf32>
    tpu.vector_store %arg4[%swap3A_13, %swap3A_14], %dot_general3A_12 {strides = array<i32>} : memref<10000x128xf32, #tpu.memory_space<vmem>>, vector<10000x128xf32>,
    return
  }
}

module attributes {stable_mosaic.version = 14 : i64} {
  func.func @_tc_post(%arg0: memref<2x10240x128xf32, #tpu.memory_space<vmem>>, %arg1: memref<32x10000xf32, #tpu.memory_space<vmem>>, %arg2: memref<10000x128xf32, #tpu.memory_space<vmem>>) attributes {dimension_semantics = [], scalar_prefetch = 0 : i64, scratch_operands = 0 : i64, tpu.core_type = #tpu.core_type<tc>} {
    %get3A = arith.constant 0 : index
    %get3A_0 = arith.constant 0 : index
    %get3A_1 = arith.constant 0 : index
    %get3A_2 = vector.load %arg0[%get3A, %get3A_0, %get3A_1] : memref<2x10240x128xf32, #tpu.memory_space<vmem>>, vector<1x10000x128xf32>
    %get3A_3 = vector.shape_cast %get3A_2 : vector<1x10000x128xf32> to vector<10000x128xf32>
    %get3A_4 = arith.constant 1 : index
    %get3A_5 = arith.constant 0 : index
    %get3A_6 = arith.constant 0 : index
    %get3A_7 = vector.load %arg0[%get3A_4, %get3A_5, %get3A_6] : memref<2x10240x128xf32, #tpu.memory_space<vmem>>, vector<1x10000x128xf32>
    %get3A_8 = vector.shape_cast %get3A_7 : vector<1x10000x128xf32> to vector<10000x128xf32>
    %add3A = arith.addf %get3A_3, %get3A_8 : vector<10000x128xf32>
    %get3A_9 = arith.constant 0 : index
    %get3A_10 = arith.constant 0 : index
    %get3A_11 = vector.load %arg1[%get3A_9, %get3A_10] : memref<32x10000xf32, #tpu.memory_space<vmem>>, vector<32x10000xf32>
    %reduce_sum3A = arith.constant dense<0.000000e+00> : vector<10000xf32>
    %reduce_sum3A_12 = vector.multi_reduction <add>, %get3A_11, %reduce_sum3A [0] : vector<32x10000xf32> to vector<10000xf32>
    %broadcast_in_dim3A = vector.shape_cast %reduce_sum3A_12 : vector<10000xf32> to vector<10000x1xf32>
    %gt3A = arith.constant 0.000000e+00 : f32
    %gt3A_13 = vector.broadcast %gt3A : f32 to vector<10000x1xf32>
    %gt3A_14 = arith.cmpf ogt, %broadcast_in_dim3A, %gt3A_13 : vector<10000x1xf32>
    %div3A = vector.broadcast %broadcast_in_dim3A : vector<10000x1xf32> to vector<10000x128xf32>
    %div3A_15 = arith.divf %add3A, %div3A : vector<10000x128xf32>
    %jit3A = arith.constant 0.000000e+00 : f32
    %broadcast_in_dim3A_16 = vector.shape_cast %gt3A_14 : vector<10000x1xi1> to vector<10000x1xi1>
    %broadcast_in_dim3A_17 = vector.broadcast %broadcast_in_dim3A_16 : vector<10000x1xi1> to vector<10000x128xi1>
    %broadcast_in_dim3A_18 = vector.broadcast %jit3A : f32 to vector<10000x128xf32>
    %select_n3A = arith.select %broadcast_in_dim3A_17, %div3A_15, %broadcast_in_dim3A_18 : vector<10000x128xi1>, vector<10000x128xf32>
    %swap3A = arith.constant 0 : index
    %swap3A_19 = arith.constant 0 : index
    %swap3A_20 = vector.load %arg2[%swap3A, %swap3A_19] : memref<10000x128xf32, #tpu.memory_space<vmem>>, vector<10000x128xf32>
    tpu.vector_store %arg2[%swap3A, %swap3A_19], %select_n3A {strides = array<i32>} : memref<10000x128xf32, #tpu.memory_space<vmem>>, vector<10000x128xf32>,
    return
  }
}

</mosaic_0001>

<sc_bundles>
// kernel: kernel.5.cloned.1.call-start
scs
__scs_entry_jumppad:
0x0: {  	(pc) =	sbr.rel $0x88, $3  }
0x1: {  	(tag) =	ssettag $0x0;
	lr =	simm.s32 $0x1  }
0x2: {  	[smem:$0x3F9D] =	sst lr;
	_ =	strace $0xD0000000  }
0x3: {  	_ = 	snop  }
0x4: {  	_ = 	snop  }
0x5: {  	_ = 	snop  }
0x6: {  	_ = 	snop  }
0x7: {  	_ = 	snop  }
__scs_overlays_trampoline_lowered:
0x8: {  	[smem:$0x3FAC] =	sst s0  }
0x9: {  	[smem:$0x3FAD] =	sst s1  }
0xa: {  	[smem:$0x3FAE] =	sst s2  }
0xb: {  	[smem:$0x3FAF] =	sst s3  }
0xc: {  	[smem:$0x3FB0] =	sst s4  }
0xd: {  	[smem:$0x3FB1] =	sst s5  }
0xe: {  	[smem:$0x3FB2] =	sst s6  }
0xf: {  	[smem:$0x3FB3] =	sst s7  }
0x10: {  	[smem:$0x3FB4] =	sst s8  }
0x11: {  	[smem:$0x3FB5] =	sst s9;
	s0 =	simm.s32 @!p0 $0x0  }
0x12: {  	s1 =	sld [smem:$0x3F9B];
	s0 =	simm.s32 @p0 $0x1  }
0x13: {  	[smem:$0x3FB6] =	sst s0;
	s0 =	simm.s32 @!p1 $0x0  }
0x14: {  	s2 =	sld [smem:$0x3F9A];
	s0 =	simm.s32 @p1 $0x1  }
0x15: {  	[smem:$0x3FB7] =	sst s0;
	s0 =	simm.s32 @!p2 $0x0  }
0x16: {  	s3 =	sld [smem:$0x3FDB];
	s0 =	simm.s32 @p2 $0x1  }
0x17: {  	s4 =	simm.s32 $0x1BF5;
	[smem:$0x3FB9] =	sst s0  }
0x18: {  	s0 =	sld [smem:$0x3F9C];
	_ =	swait.ge [sflag:s4], $0x0  }
0x19: {  	s7 =	sld [smem:$0x3F9D]  }
0x1a: {  	s8 =	sadd.s32 $0xFFFFE003, lr  }
0x1b: {  	s9 =	sadd.s32 $0xFFFFFEF7, lr;
	s5 =	simm.s32 $0xFFFFFFFF;
	p2 =	slt.u32 s8, $0xFFFFF086  }
0x1c: {  	p1 =	slt.u32 s9, $0xF7A;
	s5 =	simm.s32 @!p2 $0x0  }
0x1d: {  	s5 =	simm.s32 @p1 $0x1;
	p0 =	seq.s32 s7, s2  }
0x1e: {  	s7 =	smul.u32 @!p0 $0xF7A, s2;
	p2 =	seq.s32 @!p0 s5, $0x0  }
0x1f: {  	s9 =	smul.u32 $0xF7A, s1;
	s8 =	simm.s32 @!p0 $0x1BF5;
	p2 =	por !p2, p0  }
0x20: {  	[sflag:s8] =	ssyncset.s32 @!p0 $0xFFFFF086;
	s6 =	sadd.s32 @!p0 s3, s7;
	s7 =	simm.s32 @!p0 $0x108  }
0x21: {  	s3 =	sadd.s32 s3, s9;
	s6 =	sadd.s32 @!p0 $0x88, s6;
	s7 =	simm.s32 @p2 $0x1082  }
0x22: {  	[simem:s7], [sflag:s8] =	dma.local @!p0 [hbm:s6], $0xF7A  }
0x23: {  	s9 =	sor.u32 $0xD0000000, s2;
	s6 =	simm.s32 $0x108;
	_ =	swait.ge @!p0 [sflag:s8], $0x0  }
0x24: {  	s3 =	sadd.s32 $0x88, s3;
	s6 =	simm.s32 @!p1 $0x1082;
	[sflag:s4] =	ssyncset.s32 $0xFFFFF086  }
0x25: {  	[simem:s6], [sflag:s4] =	dma.local [hbm:s3], $0xF7A  }
0x26: {  	[smem:$0x3F9D] =	sst s1;
	(tag) =	ssettag s2;
	_ =	strace s9  }
0x27: {  	s1 =	sld [smem:$0x3FAD]  }
0x28: {  	s2 =	sld [smem:$0x3FAE]  }
0x29: {  	s4 =	sld [smem:$0x3FB0]  }
0x2a: {  	p0 =	seq.s32 s5, $0x0;
	s5 =	sld [smem:$0x3FB1]  }
0x2b: {  	s6 =	sld [smem:$0x3FB2]  }
0x2c: {  	s7 =	sld [smem:$0x3FB3]  }
0x2d: {  	s3 =	simm.s32 $0x108;
	s8 =	sld [smem:$0x3FB4]  }
0x2e: {  	s3 =	simm.s32 @!p0 $0x1082;
	s9 =	sld [smem:$0x3FB5]  }
0x2f: {  	lr =	sadd.s32 s0, s3;
	s0 =	sld [smem:$0x3FAC]  }
0x30: {  	s3 =	sld [smem:$0x3FAF]  }
0x31: {  	[smem:$0x3FB8] =	sst s10  }
0x32: {  	s10 =	sld [smem:$0x3FB6];
	_ =	sdelay $0x3  }
0x33: {  	p0 =	seq.s32 s10, $0x1;
	s10 =	sld [smem:$0x3FB8];
	_ =	sdelay $0x3  }
0x34: {  	[smem:$0x3FB8] =	sst s10  }
0x35: {  	s10 =	sld [smem:$0x3FB7];
	_ =	sdelay $0x3  }
0x36: {  	p1 =	seq.s32 s10, $0x1;
	s10 =	sld [smem:$0x3FB8];
	_ =	sdelay $0x3  }
0x37: {  	[smem:$0x3FB8] =	sst s10  }
0x38: {  	s10 =	sld [smem:$0x3FB9]  }
0x39: {  	_ = 	snop;
	(pc) =	sbr.ind lr, $3  }
0x3a: {  	_ = 	snop  }
0x3b: {  	_ = 	snop  }
0x3c: {  	p2 =	seq.s32 s10, $0x1;
	s10 =	sld [smem:$0x3FB8]  }
0x3d: {  	_ =	shalt  }
0x3e: {  	_ =	shalt  }
0x3f: {  	_ =	shalt  }
0x40: {  	_ =	shalt  }
0x41: {  	_ =	shalt  }
0x42: {  	_ =	shalt  }
0x43: {  	_ =	shalt  }
0x44: {  	_ =	shalt  }
0x45: {  	_ =	shalt  }
0x46: {  	_ =	shalt  }
0x47: {  	_ =	shalt  }
0x48: {  	_ =	shalt  }
0x49: {  	_ =	shalt  }
0x4a: {  	_ =	shalt  }
0x4b: {  	_ =	shalt  }
0x4c: {  	_ =	shalt  }
0x4d: {  	_ =	shalt  }
0x4e: {  	_ =	shalt  }
0x4f: {  	_ =	shalt  }
0x50: {  	_ =	shalt  }
0x51: {  	_ =	shalt  }
0x52: {  	_ =	shalt  }
0x53: {  	_ =	shalt  }
0x54: {  	_ =	shalt  }
0x55: {  	_ =	shalt  }
0x56: {  	_ =	shalt  }
0x57: {  	_ =	shalt  }
0x58: {  	_ =	shalt  }
0x59: {  	_ =	shalt  }
0x5a: {  	_ =	shalt  }
0x5b: {  	_ =	shalt  }
0x5c: {  	_ =	shalt  }
0x5d: {  	_ =	shalt  }
0x5e: {  	_ =	shalt  }
0x5f: {  	_ =	shalt  }
0x60: {  	_ =	shalt  }
0x61: {  	_ =	shalt  }
0x62: {  	_ =	shalt  }
0x63: {  	_ =	shalt  }
0x64: {  	_ =	shalt  }
0x65: {  	_ =	shalt  }
0x66: {  	_ =	shalt  }
0x67: {  	_ =	shalt  }
0x68: {  	_ =	shalt  }
0x69: {  	_ =	shalt  }
0x6a: {  	_ =	shalt  }
0x6b: {  	_ =	shalt  }
0x6c: {  	_ =	shalt  }
0x6d: {  	_ =	shalt  }
0x6e: {  	_ =	shalt  }
0x6f: {  	_ =	shalt  }
0x70: {  	_ =	shalt  }
0x71: {  	_ =	shalt  }
0x72: {  	_ =	shalt  }
0x73: {  	_ =	shalt  }
0x74: {  	_ =	shalt  }
0x75: {  	_ =	shalt  }
0x76: {  	_ =	shalt  }
0x77: {  	_ =	shalt  }
0x78: {  	_ =	shalt  }
0x79: {  	_ =	shalt  }
0x7a: {  	_ =	shalt  }
0x7b: {  	_ =	shalt  }
0x7c: {  	_ =	shalt  }
0x7d: {  	_ =	shalt  }
0x7e: {  	_ =	shalt  }
0x7f: {  	_ =	shalt  }
0x80: {  	_ =	shalt  }
0x81: {  	_ =	shalt  }
0x82: {  	_ =	shalt  }
0x83: {  	_ =	shalt  }
0x84: {  	_ =	shalt  }
0x85: {  	_ =	shalt  }
0x86: {  	_ =	shalt  }
0x87: {  	_ =	shalt  }
.Lfunc_end0:
.L_simem_size_0:
called_computation_lowered:
.L_overlay_start_0:
0x88: {  	s2 =	sld [smem:$0x3FD9]  }
0x89: {  	s3 =	sld [smem:$0x3FFE];
	_ =	sdelay $0x1  }
0x8a: {  	s1 =	srdreg.scid  }
0x8b: {  	s0 =	sand.u32 $0x1, s1  }
0x8c: {  	s17 =	sshll.u32 s0, $0xA;
	s2 =	sadd.s32 s3, s2  }
0x8d: {  	s2 =	sadd.s32 s2, s17  }
0x8e: {  	[smem:$0x3FC4] =	sst s2  }
0x8f: {  	_ = 	snop  }
0x90: {  	s2 =	sld [smem:$0x3FD0];
	(tm) =	ssettm $0x1  }
0x91: {  	s18 =	sld [smem:$0x3FFB];
	_ =	sdelay $0x3  }
0x92: {  	_ =	strace s18  }
0x93: {  	s3 =	sld [smem:$0x3FFC];
	_ =	sdelay $0x3  }
0x94: {  	_ =	strace s3  }
0x95: {  	s3 =	sld [smem:$0x3FFD];
	_ =	sdelay $0x3  }
0x96: {  	_ =	strace s3  }
0x97: {  	_ =	strace $0x8FFFFFFF  }
0x98: {  	s19 =	sld [smem:$0x3FDB];
	_ =	sdelay $0x1  }
0x99: {  	s4 =	simm.s32 $_scs_section_size  }
0x9a: {  	s5 =	simm.s32 $_size__tile_overlayer_lowered;
	s6 =	simm.s32 $_tile_overlayer_lowered  }
0x9b: {  	s22 =	simm.s32 $0x1BFF;
	s21 =	sshll.u32 s6, $0x1;
	s3 =	sadd.s32 s4, s19  }
0x9c: {  	s7 =	simm.s32 $0x0;
	s20 =	sshll.u32 s5, $0x1;
	s5 =	sadd.s32 s21, s3  }
0x9d: {  	[timem:s7], [sflag:s22] =	dma.local [hbm:s5], s20  }
0x9e: {  	_ =	swait.ge [sflag:s22], s20  }
0x9f: {  	s4 =	ssub.s32 $0x0, s20;
	[sflag:s22] =	ssyncset.done $0x0  }
0xa0: {  	[sflag:s22] =	ssyncadd.s32 s4;
	_ =	sdelay $0x1  }
0xa1: {  	s23 =	simm.s32 $0x1B8B  }
0xa2: {  	_ =	swait.ge [sflag:s23], $0x1  }
0xa3: {  	[sflag:s23] =	ssyncset.done $0x0  }
0xa4: {  	s25 =	simm.s32 $0x1B8E;
	s24 =	sld [smem:$0x3FFE];
	[sflag:s23] =	ssyncadd.s32 $0xFFFFFFFF  }
0xa5: {  	s26 =	simm.s32 $execute0_lowered;
	[smem:$0x3FD2] =	sst s25  }
0xa6: {  	s5 =	sshll.u32 s26, $0x1;
	_ =	strace $0x80000046;
	[dreg:$0x1] =	wrdreg $0xFFFFFFFF  }
0xa7: {  	s28 =	simm.s32 $_size_execute0_lowered;
	s3 =	sadd.s32 s3, s5;
	[dreg:$0x0] =	wrdreg $0x0  }
0xa8: {  	s5 =	sshll.u32 s28, $0x1;
	[dreg:$0x2] =	wrdreg s3  }
0xa9: {  	[dreg:$0x3] =	wrdreg s5  }
0xaa: {  	[dreg:$0x4] =	wrdreg $0xC0  }
0xab: {  	_ =	task [dreg:s7], $0x5FFFF  }
0xac: {  	[dreg:$0x1] =	wrdreg $0xFFFFFFFF  }
0xad: {  	[dreg:$0x0] =	wrdreg $0x60  }
0xae: {  	[dreg:$0x2] =	wrdreg s24  }
0xaf: {  	[dreg:$0x3] =	wrdreg s2  }
0xb0: {  	[dreg:$0x4] =	wrdreg $0xBA000  }
0xb1: {  	[dreg:$0x5] =	wrdreg $0x9  }
0xb2: {  	_ =	task.clear_ibuf [dreg:s7], $0x6FFFF;
	_ =	strace $0x90000046  }
0xb3: {  	s29 =	simm.s32 $0x9;
	_ =	strace $0x80000048  }
0xb4: {  	_ =	swait.ge [sflag:s29], $0x1  }
0xb5: {  	[sflag:s29] =	ssyncadd.s32 $0xFFFFFFFF  }
0xb6: {  	_ =	strace $0x90000048  }
0xb7: {  	_ =	sfence  }
0xb8: {  	s30 =	sld [smem:$0x0];
	_ =	sdelay $0x2  }
0xb9: {  	s31 =	sshll.u32 s1, $0xD;
	s1 =	sshrl.u32 s1, $0x2  }
0xba: {  	s3 =	sand.u32 $0x4000, s31;
	s1 =	sadd.s32 s1, s30  }
0xbb: {  	s0 =	sor.u32 s3, s0;
	s1 =	sshll.u32 s1, $0x11  }
0xbc: {  	s0 =	sor.u32 s1, s0  }
0xbd: {  	s0 =	sadd.s32 $0x8F2B, s0  }
0xbe: {  	[sflag:s0] =	ssyncadd.remote.s32 $0x1  }
0xbf: {  	_ =	sfence.sel $0xFFFF  }
0xc0: {  	[dreg:$0x0] =	wrdreg $0xFFFFFFFF;
	(pc) =	sbr.abs _section_cstart, $3  }
0xc1: {  	[dreg:$0x1] =	wrdreg $0xFFFFFFFF  }
0xc2: {  	_ =	task.clear_ibuf [dreg:s7], $0x2FFFF;
	_ =	strace $0x9FFFFFFF  }
0xc3: {  	(tm) =	ssettm $0x7FFFFFFF  }
tec
execute0_lowered:
.L_overlay_start_1:
0x0: {  	(tag) =	ssettag $0x1  }
0x1: {  	s1 =	rddreg [dreg:$0x0]  }
0x2: {  	s2 =	rddreg [dreg:$0x1]  }
0x3: {  	s3 =	rddreg [dreg:$0x2]  }
0x4: {  	s5 =	simm.s32 $0x0;
	s11 =	stileid.u32;
	s4 =	srdreg.scid  }
0x5: {  	s28 =	simm.s32 $0x7A00;
	s29 =	simm.s32 $0x7780;
	s30 =	simm.s32 $0x7800  }
0x6: {  	s31 =	simm.s32 $0x9A00;
	[smem:$0x7FF] =	sst s5;
	s6 =	sadd.s32 $0x9E00, s1  }
0x7: {  	s0 =	smul.u32 $0x14000, s11;
	s7 =	sadd.s32 $0x14200, s1;
	s15 =	sadd.s32 $0x13C00, s1  }
0x8: {  	s4 =	sand.u32 $0x1, s4;
	s9 =	sshll.u32 s11, $0x1;
	s10 =	sshrl.u32 s11, $0x2  }
0x9: {  	s19 =	smul.u32 $0x50000, s11;
	_ =	strace $0x80000047;
	[dreg:$0x4] =	wrdreg s7  }
0xa: {  	s12 =	sadd.s32 $0x14800, s1;
	[dreg:$0x5] =	wrdreg s15;
	s8 =	smul.u32 $0x140000, s4  }
0xb: {  	s9 =	sor.u32 s4, s9;
	s17 =	smul.u32 $0x13C00, s10;
	[dreg:$0x6] =	wrdreg s12  }
0xc: {  	s4 =	ssub.s32 $0x2, s4;
	s16 =	sshrl.u32 s0, $0x3;
	s18 =	sshll.u32 s9, $0x7  }
0xd: {  	s9 =	smul.u32 $0x2710, s9;
	s20 =	sshrl.u32 s4, $0x1;
	s7 =	sadd.s32 s16, s1  }
0xe: {  	s0 =	sadd.s32 s0, s8;
	s10 =	sand.u32 $0x380, s18;
	s4 =	ssub.s32 s4, s20  }
0xf: {  	s0 =	sshrl.u32 s0, $0x3;
	s8 =	sor.u32 s17, s10;
	s10 =	sshrl.u32 s19, $0x2  }
0x10: {  	s21 =	sshrl.u32 s9, $0x3;
	s7 =	sadd.s32 $0x14E00, s7;
	s14 =	sadd.s32 $0x40, s9  }
0x11: {  	s15 =	sadd.s32 $0x80, s9;
	s20 =	smax.u32 s4, $0x1;
	s4 =	simm.s32 $0x7980  }
0x12: {  	s0 =	sadd.s32 s0, s1;
	s10 =	sadd.s32 s10, s3;
	[dreg:$0x8] =	wrdreg s7  }
0x13: {  	s8 =	sshrl.u32 s8, $0x3;
	s22 =	sadd.s32 s6, s21;
	[dreg:$0x7] =	wrdreg s10  }
0x14: {  	s23 =	sadd.s32 s1, s21;
	s24 =	sadd.s32 $0x4E0, s21;
	[dreg:$0x9] =	wrdreg s22  }
0x15: {  	s21 =	simm.s32 $0x3;
	s8 =	sadd.s32 s8, s1;
	[dreg:$0xa] =	wrdreg s23  }
0x16: {  	s25 =	sadd.s32 s6, s24;
	s7 =	sadd.s32 s1, s24;
	s0 =	sadd.s32 $0x3CE00, s0  }
0x17: {  	s22 =	simm.s32 $0x2780;
	s23 =	simm.s32 $0x4F00;
	[dreg:$0xb] =	wrdreg s25  }
0x18: {  	s10 =	simm.s32 $0x0;
	[dreg:$0xc] =	wrdreg s7;
	s26 =	sadd.s32 $0x8CE00, s8  }
0x19: {  	[dreg:$0xe] =	wrdreg s0;
	s25 =	simm.s32 $0x7700;
	s0 =	simm.s32 $0x1  }
0x1a: {  	s7 =	simm.s32 $0x2;
	[dreg:$0xd] =	wrdreg s26;
	s26 =	simm.s32 $0x40  }
.LBB2_1:
0x1b: {  	s8 =	rddreg [dreg:$0x4]  }
0x1c: {  	[tilespmem:s5], [sflag:$0x3] =	stream.linear.gather [hbm4b:s8+s5], $0x2780, $0x38;
	[tilespmem:$0x1FA00] =	vst v63  }
0x1d: {  	_ =	swait.ge [sflag:s21], $0x2780  }
0x1e: {  	[sflag:s21] =	ssyncset.done $0x0  }
0x1f: {  	s12 =	rddreg [dreg:$0x5];
	[sflag:s21] =	ssyncadd.s32 $0xFFFFD880  }
0x20: {  	[tilespmem:s22], [sflag:$0x3] =	stream.linear.gather [hbm4b:s12+s5], $0x2780, $0x38;
	[tilespmem:$0x1FA00] =	vst v63  }
0x21: {  	_ =	swait.ge [sflag:s21], $0x2780  }
0x22: {  	[sflag:s21] =	ssyncset.done $0x0  }
0x23: {  	s16 =	stileid.u32;
	s13 =	rddreg [dreg:$0x6];
	[sflag:s21] =	ssyncadd.s32 $0xFFFFD880  }
0x24: {  	[tilespmem:s23], [sflag:$0x3] =	stream.linear.gather [hbm4b:s13+s5], $0x2780, $0x38;
	[tilespmem:$0x1FA00] =	vst v63  }
0x25: {  	s8 =	sshll.u32 s16, $0x6;
	_ =	swait.ge [sflag:s21], $0x2780  }
0x26: {  	s11 =	sor.u32 $0x1C03, s8;
	[sflag:s21] =	ssyncset.done $0x0;
	s17 =	rddreg [dreg:$0x7]  }
0x27: {  	s18 =	rddreg [dreg:$0x8];
	[sflag:s21] =	ssyncadd.s32 $0xFFFFD880;
	s12 =	sshrl.u32 s17, $0x3  }
0x28: {  	[spmem:s12], [sflag:s11] =	dma.local [hbm:s18], $0x2800  }
0x29: {  	_ =	swait.ge [sflag:s21], $0x2800  }
0x2a: {  	[sflag:s21] =	ssyncset.done $0x0  }
0x2b: {  	[sflag:s21] =	ssyncadd.s32 $0xFFFFD800  }
0x2c: {  	[bflag:$0x0] =	sbarrier.arrive $0xFFFF  }
0x2d: {  	s9 =	simm.s32 $0x7680;
	s19 =	rddreg [dreg:$0x9]  }
0x2e: {  	[tilespmem:s9], [sflag:$0x3] =	stream.linear.gather [hbm4b:s19+s5], $0x40, $0x38;
	[tilespmem:$0x1FA00] =	vst v63  }
0x2f: {  	_ =	swait.ge [sflag:s21], $0x40  }
0x30: {  	[sflag:s21] =	ssyncset.done $0x0  }
0x31: {  	s24 =	rddreg [dreg:$0xa];
	[sflag:s21] =	ssyncadd.s32 $0xFFFFFFC0  }
0x32: {  	[tilespmem:s25], [sflag:$0x3] =	stream.linear.gather [hbm4b:s24+s5], $0x40, $0x38;
	[tilespmem:$0x1FA00] =	vst v63  }
0x33: {  	_ =	swait.ge [sflag:s21], $0x40  }
0x34: {  	[sflag:s21] =	ssyncset.done $0x0  }
0x35: {  	s13 =	simm.s32 $0x0;
	[sflag:s21] =	ssyncadd.s32 $0xFFFFFFC0  }
0x36: {  	[tilespmem:s28], [sflag:$0x1] =	stream.indirect.gather [hbm4b:s2+s26], $0x80, s9, s26, $0xb8;
	[tilespmem:$0x1FA00] =	vst v63  }
.LBB2_2:
0x37: {  	s16 =	sshll.u32 s13, $0x7  }
0x38: {  	s8 =	sadd.s32 s16, s14  }
0x39: {  	s9 =	sshrl.u32 s8, $0x3  }
0x3a: {  	s8 =	simm.s32 $0x0;
	s17 =	sadd.s32 s6, s9  }
0x3b: {  	[tilespmem:s29], [sflag:$0x3] =	stream.linear.gather [hbm4b:s17+s8], $0x40, $0x38;
	[tilespmem:$0x1FA00] =	vst v63  }
0x3c: {  	_ =	swait.ge [sflag:s21], $0x40  }
0x3d: {  	[sflag:s21] =	ssyncset.done $0x0  }
0x3e: {  	s9 =	sadd.s32 s1, s9;
	[sflag:s21] =	ssyncadd.s32 $0xFFFFFFC0  }
0x3f: {  	[tilespmem:s30], [sflag:$0x3] =	stream.linear.gather [hbm4b:s9+s8], $0x40, $0x38;
	[tilespmem:$0x1FA00] =	vst v63  }
0x40: {  	_ =	swait.ge [sflag:s21], $0x40  }
0x41: {  	[sflag:s21] =	ssyncset.done $0x0  }
0x42: {  	[sflag:s21] =	ssyncadd.s32 $0xFFFFFFC0  }
0x43: {  	[tilespmem:s31], [sflag:$0x2] =	stream.indirect.gather [hbm4b:s2+s26], $0x80, s29, s26, $0xb8;
	[tilespmem:$0x1FA00] =	vst v63  }
0x44: {  	v0 =	vld [tilespmem:$0x7680]  }
0x45: {  	v1 =	vld [tilespmem:$0x7700];
	_ =	sdelay $0x6  }
0x46: {  	v0 =	vld.idx.msk [tilespmem:v0+s8+$0x0], $0xffff  }
0x47: {  	v2 =	vld.idx.msk [tilespmem:v1+s22+$0x0], $0xffff;
	_ =	sdelay $0x4  }
0x48: {  	v0 =	vadd.f32 v2, v0;
	_ =	sdelay $0x1  }
0x49: {  	v2 =	vmul.f32 $9.999999770e-03, v0;
	_ =	sdelay $0x1  }
0x4a: {  	v0 =	vmax.f32 v0, v2  }
0x4b: {  	v0 =	vmul.f32 $1.442695020e+00, v0;
	_ =	sdelay $0x1  }
0x4c: {  	(erf) = vpow2.f32 v0;
	_ =	sdelay $0x8  }
0x4d: {  	v0 =	vpop (erf)  }
0x4e: {  	[tilespmem:$0x7980] =	vst v0  }
0x4f: {  	[tilespmem:v1+s23+$0x0] =	vst.idx.add.f32.msk $0xffff, v0  }
0x50: {  	v0 =	vld [tilespmem:$0x7690]  }
0x51: {  	v1 =	vld [tilespmem:$0x7710];
	_ =	sdelay $0x6  }
0x52: {  	v0 =	vld.idx.msk [tilespmem:v0+s8+$0x0], $0xffff  }
0x53: {  	v2 =	vld.idx.msk [tilespmem:v1+s22+$0x0], $0xffff;
	_ =	sdelay $0x4  }
0x54: {  	v0 =	vadd.f32 v2, v0;
	_ =	sdelay $0x1  }
0x55: {  	v2 =	vmul.f32 $9.999999770e-03, v0;
	_ =	sdelay $0x1  }
0x56: {  	v0 =	vmax.f32 v0, v2  }
0x57: {  	v0 =	vmul.f32 $1.442695020e+00, v0;
	_ =	sdelay $0x1  }
0x58: {  	(erf) = vpow2.f32 v0;
	_ =	sdelay $0x8  }
0x59: {  	v0 =	vpop (erf)  }
0x5a: {  	[tilespmem:$0x7990] =	vst v0  }
0x5b: {  	[tilespmem:v1+s23+$0x0] =	vst.idx.add.f32.msk $0xffff, v0  }
0x5c: {  	v0 =	vld [tilespmem:$0x76A0]  }
0x5d: {  	v1 =	vld [tilespmem:$0x7720];
	_ =	sdelay $0x6  }
0x5e: {  	v0 =	vld.idx.msk [tilespmem:v0+s8+$0x0], $0xffff  }
0x5f: {  	v2 =	vld.idx.msk [tilespmem:v1+s22+$0x0], $0xffff;
	_ =	sdelay $0x4  }
0x60: {  	v0 =	vadd.f32 v2, v0;
	_ =	sdelay $0x1  }
0x61: {  	v2 =	vmul.f32 $9.999999770e-03, v0;
	_ =	sdelay $0x1  }
0x62: {  	v0 =	vmax.f32 v0, v2  }
0x63: {  	v0 =	vmul.f32 $1.442695020e+00, v0;
	_ =	sdelay $0x1  }
0x64: {  	(erf) = vpow2.f32 v0;
	_ =	sdelay $0x8  }
0x65: {  	v0 =	vpop (erf)  }
0x66: {  	[tilespmem:$0x79A0] =	vst v0  }
0x67: {  	[tilespmem:v1+s23+$0x0] =	vst.idx.add.f32.msk $0xffff, v0  }
0x68: {  	v0 =	vld [tilespmem:$0x76B0]  }
0x69: {  	v1 =	vld [tilespmem:$0x7730];
	_ =	sdelay $0x6  }
0x6a: {  	v0 =	vld.idx.msk [tilespmem:v0+s8+$0x0], $0xffff  }
0x6b: {  	v2 =	vld.idx.msk [tilespmem:v1+s22+$0x0], $0xffff;
	_ =	sdelay $0x4  }
0x6c: {  	v0 =	vadd.f32 v2, v0;
	_ =	sdelay $0x1  }
0x6d: {  	v2 =	vmul.f32 $9.999999770e-03, v0;
	_ =	sdelay $0x1  }
0x6e: {  	v0 =	vmax.f32 v0, v2  }
0x6f: {  	v0 =	vmul.f32 $1.442695020e+00, v0;
	_ =	sdelay $0x1  }
0x70: {  	(erf) = vpow2.f32 v0;
	_ =	sdelay $0x7  }
0x71: {  	v0 =	vmov s8  }
0x72: {  	v0 =	vand.u32 $0xFFFFFFFC, v0;
	v2 =	vpop (erf)  }
0x73: {  	v0 =	vbroadcast v0, $0x0;
	[tilespmem:$0x79B0] =	vst v2  }
0x74: {  	[tilespmem:v1+s23+$0x0] =	vst.idx.add.f32.msk $0xffff, v2  }
0x75: {  	_ =	swait.ge [sflag:s0], $0x2000  }
0x76: {  	[sflag:s0] =	ssyncset.done $0x0  }
0x77: {  	s17 =	simm.s32 $0x7B00;
	[sflag:s0] =	ssyncadd.s32 $0xFFFFE000  }
0x78: {  	v1 =	vld [tilespmem:s17+$0xFFFFFF70]  }
0x79: {  	v0 =	vld.idx.msk [tilespmem:v0+s4+$0x0], $0xffff  }
0x7a: {  	v2 =	vld [tilespmem:s17+$0xFFFFFF00]  }
0x7b: {  	v3 =	vld [tilespmem:s17+$0xFFFFFF20]  }
0x7c: {  	v4 =	vld [tilespmem:s17+$0xFFFFFF50]  }
0x7d: {  	v5 =	vld [tilespmem:s17+$0xFFFFFF40]  }
0x7e: {  	v6 =	vld [tilespmem:s17+$0xFFFFFF60];
	v1 =	vmul.f32 v1, v0  }
0x7f: {  	s19 =	simm.s32 $0x1;
	v7 =	vld [tilespmem:s17+$0xFFFFFF30];
	v2 =	vmul.f32 v2, v0  }
0x80: {  	v8 =	vld [tilespmem:s17+$0xFFFFFF10];
	v3 =	vmul.f32 v3, v0;
	[tilespmem:s17+$0xFFFFFF70] =	vst v1;
	v1 =	vmov s19  }
0x81: {  	v4 =	vmul.f32 v4, v0;
	[tilespmem:s17+$0xFFFFFF00] =	vst v2;
	v1 =	vand.u32 $0xFFFFFFFD, v1  }
0x82: {  	v2 =	vmul.f32 v5, v0;
	[tilespmem:s17+$0xFFFFFF20] =	vst v3;
	v1 =	vbroadcast v1, $0x0  }
0x83: {  	v3 =	vmul.f32 v6, v0;
	[tilespmem:s17+$0xFFFFFF50] =	vst v4  }
0x84: {  	v4 =	vmul.f32 v7, v0;
	[tilespmem:s17+$0xFFFFFF40] =	vst v2  }
0x85: {  	v0 =	vmul.f32 v8, v0;
	[tilespmem:s17+$0xFFFFFF60] =	vst v3  }
0x86: {  	[tilespmem:s17+$0xFFFFFF30] =	vst v4  }
0x87: {  	[tilespmem:s17+$0xFFFFFF10] =	vst v0;
	v0 =	vld [tilespmem:s17+$0xFFFFFF90]  }
0x88: {  	v2 =	vld.idx.msk [tilespmem:v1+s4+$0x0], $0xffff  }
0x89: {  	v1 =	vld [tilespmem:s17+$0xFFFFFFA0]  }
0x8a: {  	v3 =	vld [tilespmem:s17+$0xFFFFFF80]  }
0x8b: {  	v4 =	vld [tilespmem:s17+$0xFFFFFFB0]  }
0x8c: {  	v5 =	vld [tilespmem:s17+$0xFFFFFFC0]  }
0x8d: {  	v6 =	vld [tilespmem:s17+$0xFFFFFFD0];
	v0 =	vmul.f32 v0, v2  }
0x8e: {  	s24 =	simm.s32 $0x2;
	v7 =	vld [tilespmem:s17+$0xFFFFFFF0];
	v1 =	vmul.f32 v1, v2  }
0x8f: {  	v8 =	vld [tilespmem:s17+$0xFFFFFFE0];
	v3 =	vmul.f32 v3, v2;
	[tilespmem:s17+$0xFFFFFF90] =	vst v0;
	v0 =	vmov s24  }
0x90: {  	v4 =	vmul.f32 v4, v2;
	[tilespmem:s17+$0xFFFFFFA0] =	vst v1;
	v0 =	vand.u32 $0xFFFFFFFE, v0  }
0x91: {  	v1 =	vmul.f32 v5, v2;
	[tilespmem:s17+$0xFFFFFF80] =	vst v3;
	v5 =	vld [tilespmem:s17+$0x60];
	v9 =	vbroadcast v0, $0x0  }
0x92: {  	v3 =	vmul.f32 v6, v2;
	[tilespmem:s17+$0xFFFFFFB0] =	vst v4;
	v6 =	vld [tilespmem:s17+$0x0]  }
0x93: {  	v4 =	vmul.f32 v7, v2;
	v0 =	vld [tilespmem:s17+$0x20];
	[tilespmem:s17+$0xFFFFFFC0] =	vst v1  }
0x94: {  	v2 =	vmul.f32 v8, v2;
	v1 =	vld [tilespmem:s17+$0x30];
	[tilespmem:s17+$0xFFFFFFD0] =	vst v3  }
0x95: {  	[tilespmem:s17+$0xFFFFFFF0] =	vst v4;
	v3 =	vld [tilespmem:s17+$0x40]  }
0x96: {  	[tilespmem:s17+$0xFFFFFFE0] =	vst v2;
	v4 =	vld [tilespmem:s17+$0x10]  }
0x97: {  	s18 =	simm.s32 $0x7B00;
	s9 =	simm.s32 $0x4;
	v2 =	vld.idx.msk [tilespmem:v9+s4+$0x0], $0xffff  }
.LBB2_3:
0x98: {  	p0 =	slt.u32 s9, $0x3C  }
0x99: {  	v7 =	vld [tilespmem:s17+$0x50];
	s18 =	sadd.s32 $0x200, s18;
	s24 =	smov.u32 s9;
	s9 =	sadd.s32 $0x4, s9  }
0x9a: {  	v8 =	vld [tilespmem:s17+$0x70];
	_ =	sdelay $0x1  }
0x9b: {  	v5 =	vmul.f32 v5, v2;
	v6 =	vmul.f32 v6, v2  }
0x9c: {  	v3 =	vmul.f32 v3, v2;
	v4 =	vmul.f32 v4, v2  }
0x9d: {  	v0 =	vmul.f32 v0, v2;
	v1 =	vmul.f32 v1, v2;
	[tilespmem:s17+$0x60] =	vst v5  }
0x9e: {  	[tilespmem:s17+$0x40] =	vst v3;
	v3 =	vmul.f32 v7, v2;
	v2 =	vmul.f32 v8, v2  }
0x9f: {  	s19 =	sadd.s32 $0x3, s8;
	s8 =	smov.u32 s24;
	[tilespmem:s17+$0x20] =	vst v0;
	v5 =	vld [tilespmem:s17+$0x80]  }
0xa0: {  	v0 =	vld [tilespmem:s18+$0x20];
	[tilespmem:s17+$0x0] =	vst v6;
	v6 =	vmov s19  }
0xa1: {  	[tilespmem:s17+$0x50] =	vst v3;
	v3 =	vld [tilespmem:s17+$0xE0]  }
0xa2: {  	[tilespmem:s17+$0x30] =	vst v1;
	v7 =	vld [tilespmem:s17+$0xC0]  }
0xa3: {  	v1 =	vld [tilespmem:s18+$0x30];
	[tilespmem:s17+$0x10] =	vst v4  }
0xa4: {  	[tilespmem:s17+$0x70] =	vst v2;
	v2 =	vld [tilespmem:s17+$0xA0]  }
0xa5: {  	v4 =	vld.idx.msk [tilespmem:v6+s4+$0x0], $0xffff  }
0xa6: {  	v6 =	vld [tilespmem:s17+$0x90]  }
0xa7: {  	v8 =	vld [tilespmem:s17+$0xB0]  }
0xa8: {  	v9 =	vld [tilespmem:s17+$0xD0]  }
0xa9: {  	v10 =	vld [tilespmem:s17+$0xF0];
	_ =	sdelay $0x1  }
0xaa: {  	v5 =	vmul.f32 v5, v4;
	v6 =	vmul.f32 v6, v4  }
0xab: {  	v2 =	vmul.f32 v2, v4;
	v8 =	vmul.f32 v8, v4  }
0xac: {  	v11 =	vmov s8;
	[tilespmem:s17+$0x80] =	vst v5;
	v5 =	vmul.f32 v7, v4;
	v7 =	vmul.f32 v9, v4  }
0xad: {  	v9 =	vand.u32 $0xFFFFFFFC, v11;
	[tilespmem:s17+$0xA0] =	vst v2;
	v2 =	vmul.f32 v3, v4;
	v3 =	vmul.f32 v10, v4  }
0xae: {  	v4 =	vbroadcast v9, $0x0;
	[tilespmem:s17+$0xC0] =	vst v5  }
0xaf: {  	[tilespmem:s17+$0xF0] =	vst v3  }
0xb0: {  	v3 =	vld [tilespmem:s18+$0xFFFFFF40];
	[tilespmem:s17+$0xE0] =	vst v2  }
0xb1: {  	v2 =	vld [tilespmem:s18+$0xFFFFFF50];
	[tilespmem:s17+$0x90] =	vst v6  }
0xb2: {  	v5 =	vld [tilespmem:s18+$0xFFFFFF60];
	[tilespmem:s17+$0xB0] =	vst v8  }
0xb3: {  	v6 =	vld [tilespmem:s18+$0xFFFFFF70];
	[tilespmem:s17+$0xD0] =	vst v7;
	s17 =	smov.u32 s18  }
0xb4: {  	v4 =	vld.idx.msk [tilespmem:v4+s4+$0x0], $0xffff  }
0xb5: {  	v7 =	vld [tilespmem:s18+$0xFFFFFF00]  }
0xb6: {  	v8 =	vld [tilespmem:s18+$0xFFFFFF20]  }
0xb7: {  	v9 =	vld [tilespmem:s18+$0xFFFFFF10]  }
0xb8: {  	v10 =	vld [tilespmem:s18+$0xFFFFFF30];
	_ =	sdelay $0x1  }
0xb9: {  	v6 =	vmul.f32 v6, v4;
	v7 =	vmul.f32 v7, v4  }
0xba: {  	s19 =	sadd.s32 $0x1, s8;
	v5 =	vmul.f32 v5, v4;
	v8 =	vmul.f32 v8, v4  }
0xbb: {  	v2 =	vmul.f32 v2, v4;
	v9 =	vmul.f32 v9, v4;
	[tilespmem:s18+$0xFFFFFF70] =	vst v6;
	v6 =	vmov s19  }
0xbc: {  	v3 =	vmul.f32 v3, v4;
	[tilespmem:s18+$0xFFFFFF00] =	vst v7;
	v7 =	vmul.f32 v10, v4;
	v4 =	vand.u32 $0xFFFFFFFD, v6  }
0xbd: {  	[tilespmem:s18+$0xFFFFFF20] =	vst v8;
	v4 =	vbroadcast v4, $0x0  }
0xbe: {  	[tilespmem:s18+$0xFFFFFF50] =	vst v2  }
0xbf: {  	[tilespmem:s18+$0xFFFFFF40] =	vst v3;
	v2 =	vld [tilespmem:s18+$0xFFFFFFF0]  }
0xc0: {  	[tilespmem:s18+$0xFFFFFF60] =	vst v5;
	v3 =	vld [tilespmem:s18+$0xFFFFFFC0]  }
0xc1: {  	[tilespmem:s18+$0xFFFFFF30] =	vst v7;
	v5 =	vld [tilespmem:s18+$0xFFFFFFD0]  }
0xc2: {  	[tilespmem:s18+$0xFFFFFF10] =	vst v9;
	v6 =	vld [tilespmem:s18+$0xFFFFFF90]  }
0xc3: {  	v4 =	vld.idx.msk [tilespmem:v4+s4+$0x0], $0xffff  }
0xc4: {  	v7 =	vld [tilespmem:s18+$0xFFFFFF80]  }
0xc5: {  	v8 =	vld [tilespmem:s18+$0xFFFFFFA0]  }
0xc6: {  	v9 =	vld [tilespmem:s18+$0xFFFFFFB0]  }
0xc7: {  	v10 =	vld [tilespmem:s18+$0xFFFFFFE0];
	_ =	sdelay $0x1  }
0xc8: {  	v6 =	vmul.f32 v6, v4;
	v7 =	vmul.f32 v7, v4  }
0xc9: {  	s19 =	sadd.s32 $0x2, s8;
	v5 =	vmul.f32 v5, v4;
	v8 =	vmul.f32 v8, v4  }
0xca: {  	v3 =	vmul.f32 v3, v4;
	[tilespmem:s18+$0xFFFFFF90] =	vst v6;
	v6 =	vmul.f32 v9, v4;
	v9 =	vmov s19  }
0xcb: {  	v2 =	vmul.f32 v2, v4;
	[tilespmem:s18+$0xFFFFFFA0] =	vst v8;
	v8 =	vmul.f32 v10, v4;
	v4 =	vand.u32 $0xFFFFFFFE, v9  }
0xcc: {  	[tilespmem:s18+$0xFFFFFF80] =	vst v7;
	v4 =	vbroadcast v4, $0x0  }
0xcd: {  	[tilespmem:s18+$0xFFFFFFB0] =	vst v6  }
0xce: {  	[tilespmem:s18+$0xFFFFFFC0] =	vst v3  }
0xcf: {  	[tilespmem:s18+$0xFFFFFFD0] =	vst v5  }
.Ltmp0:
0xd0: {  	[tilespmem:s18+$0xFFFFFFF0] =	vst v2;
	v3 =	vld [tilespmem:s18+$0x40];
	(pc) =	sbr.rel @p0 .LBB2_3-.Ltmp0, $4  }
0xd1: {  	[tilespmem:s18+$0xFFFFFFE0] =	vst v8;
	v5 =	vld [tilespmem:s18+$0x60]  }
0xd2: {  	v2 =	vld.idx.msk [tilespmem:v4+s4+$0x0], $0xffff  }
0xd3: {  	v6 =	vld [tilespmem:s18+$0x0]  }
0xd4: {  	v4 =	vld [tilespmem:s18+$0x10]  }
0xd5: {  	_ =	sdelay $0x1  }
0xd6: {  	v5 =	vmul.f32 v5, v2  }
0xd7: {  	v7 =	vld [tilespmem:s17+$0x50];
	v3 =	vmul.f32 v3, v2  }
0xd8: {  	v8 =	vld [tilespmem:s17+$0x70];
	v0 =	vmul.f32 v0, v2;
	[tilespmem:s17+$0x60] =	vst v5  }
0xd9: {  	v5 =	vmul.f32 v6, v2;
	[tilespmem:s17+$0x40] =	vst v3  }
0xda: {  	s8 =	sadd.s32 $0x3, s8;
	[tilespmem:s17+$0x20] =	vst v0;
	v0 =	vmul.f32 v1, v2  }
0xdb: {  	v4 =	vmul.f32 v4, v2;
	[tilespmem:s17+$0x0] =	vst v5;
	v5 =	vmov s8  }
0xdc: {  	v3 =	vmul.f32 v7, v2;
	[tilespmem:s17+$0x30] =	vst v0  }
0xdd: {  	v2 =	vmul.f32 v8, v2;
	[tilespmem:s17+$0x10] =	vst v4  }
0xde: {  	[tilespmem:s17+$0x50] =	vst v3  }
0xdf: {  	v1 =	vld [tilespmem:s17+$0x80];
	[tilespmem:s17+$0x70] =	vst v2  }
0xe0: {  	v0 =	vld.idx.msk [tilespmem:v5+s4+$0x0], $0xffff  }
0xe1: {  	v2 =	vld [tilespmem:s17+$0xA0]  }
0xe2: {  	v3 =	vld [tilespmem:s17+$0xC0]  }
0xe3: {  	v4 =	vld [tilespmem:s17+$0xF0]  }
0xe4: {  	v5 =	vld [tilespmem:s17+$0xE0]  }
0xe5: {  	v6 =	vld [tilespmem:s17+$0x90];
	v1 =	vmul.f32 v1, v0  }
0xe6: {  	v7 =	vld [tilespmem:s17+$0xB0];
	v2 =	vmul.f32 v2, v0  }
0xe7: {  	v8 =	vld [tilespmem:s17+$0xD0];
	[tilespmem:s17+$0x80] =	vst v1;
	v1 =	vmul.f32 v3, v0  }
0xe8: {  	[tilespmem:s17+$0xA0] =	vst v2;
	v2 =	vmul.f32 v4, v0  }
0xe9: {  	v3 =	vmul.f32 v5, v0;
	[tilespmem:s17+$0xC0] =	vst v1  }
0xea: {  	v1 =	vmul.f32 v6, v0;
	[tilespmem:s17+$0xF0] =	vst v2  }
0xeb: {  	v2 =	vmul.f32 v7, v0;
	[tilespmem:s17+$0xE0] =	vst v3  }
0xec: {  	v0 =	vmul.f32 v8, v0;
	[tilespmem:s17+$0x90] =	vst v1  }
0xed: {  	[tilespmem:s17+$0xB0] =	vst v2  }
0xee: {  	p0 =	sgt.u32 s13, $0x4C;
	[tilespmem:s17+$0xD0] =	vst v0  }
0xef: {  	[spmem:s3] =	stream.indirect.scatter.add.f32 [tilespmem:s28], [sflag:$0x3], $0x80, s25, s26, $0xb8;
	[tilespmem:$0x1FA00] =	vst v63  }
0xf0: {  	s8 =	sadd.s32 @!p0 s16, s15;
	_ =	swait.ge [sflag:s21], $0x2000  }
0xf1: {  	s16 =	simm.s32 @!p0 $0x0;
	s8 =	sshrl.u32 @!p0 s8, $0x3;
	[sflag:s21] =	ssyncset.done $0x0  }
0xf2: {  	s9 =	sadd.s32 @!p0 s6, s8;
	s17 =	simm.s32 @!p0 $0x7680;
	[sflag:s21] =	ssyncadd.s32 $0xFFFFE000  }
0xf3: {  	[tilespmem:s17], [sflag:$0x3] =	stream.linear.gather @!p0 [hbm4b:s9+s16], $0x40, $0x38;
	[tilespmem:$0x1FA00] =	vst v63  }
0xf4: {  	s9 =	simm.s32 @!p0 $0x3  }
0xf5: {  	_ =	swait.ge @!p0 [sflag:s9], $0x40  }
0xf6: {  	[sflag:s9] =	ssyncset.done @!p0 $0x0  }
0xf7: {  	s18 =	simm.s32 @!p0 $0x7700;
	s8 =	sadd.s32 @!p0 s1, s8;
	[sflag:s9] =	ssyncadd.s32 @!p0 $0xFFFFFFC0  }
0xf8: {  	[tilespmem:s18], [sflag:$0x3] =	stream.linear.gather @!p0 [hbm4b:s8+s16], $0x40, $0x38;
	[tilespmem:$0x1FA00] =	vst v63  }
0xf9: {  	_ =	swait.ge @!p0 [sflag:s9], $0x40  }
0xfa: {  	[sflag:s9] =	ssyncset.done @!p0 $0x0  }
0xfb: {  	s8 =	simm.s32 @!p0 $0x40;
	[sflag:s9] =	ssyncadd.s32 @!p0 $0xFFFFFFC0;
	s9 =	simm.s32 @!p0 $0x7A00  }
0xfc: {  	[tilespmem:s9], [sflag:$0x1] =	stream.indirect.gather @!p0 [hbm4b:s2+s8], $0x80, s17, s8, $0xb8;
	[tilespmem:$0x1FA00] =	vst v63  }
0xfd: {  	v0 =	vld [tilespmem:$0x7780]  }
0xfe: {  	v1 =	vld [tilespmem:$0x7800];
	_ =	sdelay $0x5  }
0xff: {  	s8 =	simm.s32 $0x0  }
0x100: {  	v0 =	vld.idx.msk [tilespmem:v0+s8+$0x0], $0xffff  }
0x101: {  	v2 =	vld.idx.msk [tilespmem:v1+s22+$0x0], $0xffff;
	_ =	sdelay $0x4  }
0x102: {  	v0 =	vadd.f32 v2, v0;
	_ =	sdelay $0x1  }
0x103: {  	v2 =	vmul.f32 $9.999999770e-03, v0;
	_ =	sdelay $0x1  }
0x104: {  	v0 =	vmax.f32 v0, v2  }
0x105: {  	v0 =	vmul.f32 $1.442695020e+00, v0;
	_ =	sdelay $0x1  }
0x106: {  	(erf) = vpow2.f32 v0;
	_ =	sdelay $0x8  }
0x107: {  	v0 =	vpop (erf)  }
0x108: {  	[tilespmem:$0x7980] =	vst v0  }
0x109: {  	[tilespmem:v1+s23+$0x0] =	vst.idx.add.f32.msk $0xffff, v0  }
0x10a: {  	v0 =	vld [tilespmem:$0x7790]  }
0x10b: {  	v1 =	vld [tilespmem:$0x7810];
	_ =	sdelay $0x6  }
0x10c: {  	v0 =	vld.idx.msk [tilespmem:v0+s8+$0x0], $0xffff  }
0x10d: {  	v2 =	vld.idx.msk [tilespmem:v1+s22+$0x0], $0xffff;
	_ =	sdelay $0x4  }
0x10e: {  	v0 =	vadd.f32 v2, v0;
	_ =	sdelay $0x1  }
0x10f: {  	v2 =	vmul.f32 $9.999999770e-03, v0;
	_ =	sdelay $0x1  }
0x110: {  	v0 =	vmax.f32 v0, v2  }
0x111: {  	v0 =	vmul.f32 $1.442695020e+00, v0;
	_ =	sdelay $0x1  }
0x112: {  	(erf) = vpow2.f32 v0;
	_ =	sdelay $0x8  }
0x113: {  	v0 =	vpop (erf)  }
0x114: {  	[tilespmem:$0x7990] =	vst v0  }
0x115: {  	[tilespmem:v1+s23+$0x0] =	vst.idx.add.f32.msk $0xffff, v0  }
0x116: {  	v0 =	vld [tilespmem:$0x77A0]  }
0x117: {  	v1 =	vld [tilespmem:$0x7820];
	_ =	sdelay $0x6  }
0x118: {  	v0 =	vld.idx.msk [tilespmem:v0+s8+$0x0], $0xffff  }
0x119: {  	v2 =	vld.idx.msk [tilespmem:v1+s22+$0x0], $0xffff;
	_ =	sdelay $0x4  }
0x11a: {  	v0 =	vadd.f32 v2, v0;
	_ =	sdelay $0x1  }
0x11b: {  	v2 =	vmul.f32 $9.999999770e-03, v0;
	_ =	sdelay $0x1  }
0x11c: {  	v0 =	vmax.f32 v0, v2  }
0x11d: {  	v0 =	vmul.f32 $1.442695020e+00, v0;
	_ =	sdelay $0x1  }
0x11e: {  	(erf) = vpow2.f32 v0;
	_ =	sdelay $0x8  }
0x11f: {  	v0 =	vpop (erf)  }
0x120: {  	[tilespmem:$0x79A0] =	vst v0  }
0x121: {  	[tilespmem:v1+s23+$0x0] =	vst.idx.add.f32.msk $0xffff, v0  }
0x122: {  	v0 =	vld [tilespmem:$0x77B0]  }
0x123: {  	v1 =	vld [tilespmem:$0x7830];
	_ =	sdelay $0x6  }
0x124: {  	v0 =	vld.idx.msk [tilespmem:v0+s8+$0x0], $0xffff  }
0x125: {  	v2 =	vld.idx.msk [tilespmem:v1+s22+$0x0], $0xffff;
	_ =	sdelay $0x4  }
0x126: {  	v0 =	vadd.f32 v2, v0;
	_ =	sdelay $0x1  }
0x127: {  	v2 =	vmul.f32 $9.999999770e-03, v0;
	_ =	sdelay $0x1  }
0x128: {  	v0 =	vmax.f32 v0, v2  }
0x129: {  	v0 =	vmul.f32 $1.442695020e+00, v0;
	_ =	sdelay $0x1  }
0x12a: {  	(erf) = vpow2.f32 v0;
	_ =	sdelay $0x7  }
0x12b: {  	v0 =	vmov s8  }
0x12c: {  	v0 =	vand.u32 $0xFFFFFFFC, v0;
	v2 =	vpop (erf)  }
0x12d: {  	v0 =	vbroadcast v0, $0x0;
	[tilespmem:$0x79B0] =	vst v2  }
0x12e: {  	[tilespmem:v1+s23+$0x0] =	vst.idx.add.f32.msk $0xffff, v2  }
0x12f: {  	_ =	swait.ge [sflag:s7], $0x2000  }
0x130: {  	[sflag:s7] =	ssyncset.done $0x0  }
0x131: {  	s16 =	simm.s32 $0x9B00;
	[sflag:s7] =	ssyncadd.s32 $0xFFFFE000  }
0x132: {  	v1 =	vld [tilespmem:s16+$0xFFFFFF70]  }
0x133: {  	v0 =	vld.idx.msk [tilespmem:v0+s4+$0x0], $0xffff  }
0x134: {  	v2 =	vld [tilespmem:s16+$0xFFFFFF00]  }
0x135: {  	v3 =	vld [tilespmem:s16+$0xFFFFFF20]  }
0x136: {  	v4 =	vld [tilespmem:s16+$0xFFFFFF50]  }
0x137: {  	v5 =	vld [tilespmem:s16+$0xFFFFFF40]  }
0x138: {  	v6 =	vld [tilespmem:s16+$0xFFFFFF60];
	v1 =	vmul.f32 v1, v0  }
0x139: {  	s19 =	simm.s32 $0x1;
	v7 =	vld [tilespmem:s16+$0xFFFFFF30];
	v2 =	vmul.f32 v2, v0  }
0x13a: {  	v8 =	vld [tilespmem:s16+$0xFFFFFF10];
	v3 =	vmul.f32 v3, v0;
	[tilespmem:s16+$0xFFFFFF70] =	vst v1;
	v1 =	vmov s19  }
0x13b: {  	v4 =	vmul.f32 v4, v0;
	[tilespmem:s16+$0xFFFFFF00] =	vst v2;
	v1 =	vand.u32 $0xFFFFFFFD, v1  }
0x13c: {  	v2 =	vmul.f32 v5, v0;
	[tilespmem:s16+$0xFFFFFF20] =	vst v3;
	v1 =	vbroadcast v1, $0x0  }
0x13d: {  	v3 =	vmul.f32 v6, v0;
	[tilespmem:s16+$0xFFFFFF50] =	vst v4  }
0x13e: {  	v4 =	vmul.f32 v7, v0;
	[tilespmem:s16+$0xFFFFFF40] =	vst v2  }
0x13f: {  	v0 =	vmul.f32 v8, v0;
	[tilespmem:s16+$0xFFFFFF60] =	vst v3  }
0x140: {  	[tilespmem:s16+$0xFFFFFF30] =	vst v4  }
0x141: {  	[tilespmem:s16+$0xFFFFFF10] =	vst v0;
	v0 =	vld [tilespmem:s16+$0xFFFFFF90]  }
0x142: {  	v2 =	vld.idx.msk [tilespmem:v1+s4+$0x0], $0xffff  }
0x143: {  	v1 =	vld [tilespmem:s16+$0xFFFFFFA0]  }
0x144: {  	v3 =	vld [tilespmem:s16+$0xFFFFFF80]  }
0x145: {  	v4 =	vld [tilespmem:s16+$0xFFFFFFB0]  }
0x146: {  	v5 =	vld [tilespmem:s16+$0xFFFFFFC0]  }
0x147: {  	v6 =	vld [tilespmem:s16+$0xFFFFFFD0];
	v0 =	vmul.f32 v0, v2  }
0x148: {  	s24 =	simm.s32 $0x2;
	v7 =	vld [tilespmem:s16+$0xFFFFFFF0];
	v1 =	vmul.f32 v1, v2  }
0x149: {  	v8 =	vld [tilespmem:s16+$0xFFFFFFE0];
	v3 =	vmul.f32 v3, v2;
	[tilespmem:s16+$0xFFFFFF90] =	vst v0;
	v0 =	vmov s24  }
0x14a: {  	v4 =	vmul.f32 v4, v2;
	[tilespmem:s16+$0xFFFFFFA0] =	vst v1;
	v0 =	vand.u32 $0xFFFFFFFE, v0  }
0x14b: {  	v1 =	vmul.f32 v5, v2;
	[tilespmem:s16+$0xFFFFFF80] =	vst v3;
	v5 =	vld [tilespmem:s16+$0x60];
	v9 =	vbroadcast v0, $0x0  }
0x14c: {  	v3 =	vmul.f32 v6, v2;
	[tilespmem:s16+$0xFFFFFFB0] =	vst v4;
	v6 =	vld [tilespmem:s16+$0x0]  }
0x14d: {  	v4 =	vmul.f32 v7, v2;
	v0 =	vld [tilespmem:s16+$0x20];
	[tilespmem:s16+$0xFFFFFFC0] =	vst v1  }
0x14e: {  	v2 =	vmul.f32 v8, v2;
	v1 =	vld [tilespmem:s16+$0x30];
	[tilespmem:s16+$0xFFFFFFD0] =	vst v3  }
0x14f: {  	[tilespmem:s16+$0xFFFFFFF0] =	vst v4;
	v3 =	vld [tilespmem:s16+$0x40]  }
0x150: {  	[tilespmem:s16+$0xFFFFFFE0] =	vst v2;
	v4 =	vld [tilespmem:s16+$0x10]  }
0x151: {  	s9 =	simm.s32 $0x4;
	s17 =	simm.s32 $0x9B00;
	v2 =	vld.idx.msk [tilespmem:v9+s4+$0x0], $0xffff  }
.LBB2_5:
0x152: {  	p0 =	slt.u32 s9, $0x3C  }
0x153: {  	v7 =	vld [tilespmem:s16+$0x50];
	s17 =	sadd.s32 $0x200, s17;
	s18 =	smov.u32 s9;
	s9 =	sadd.s32 $0x4, s9  }
0x154: {  	v8 =	vld [tilespmem:s16+$0x70];
	_ =	sdelay $0x1  }
0x155: {  	v5 =	vmul.f32 v5, v2;
	v6 =	vmul.f32 v6, v2  }
0x156: {  	v3 =	vmul.f32 v3, v2;
	v4 =	vmul.f32 v4, v2  }
0x157: {  	v0 =	vmul.f32 v0, v2;
	v1 =	vmul.f32 v1, v2;
	[tilespmem:s16+$0x60] =	vst v5  }
0x158: {  	[tilespmem:s16+$0x40] =	vst v3;
	v3 =	vmul.f32 v7, v2;
	v2 =	vmul.f32 v8, v2  }
0x159: {  	s19 =	sadd.s32 $0x3, s8;
	s8 =	smov.u32 s18;
	[tilespmem:s16+$0x20] =	vst v0;
	v5 =	vld [tilespmem:s16+$0x80]  }
0x15a: {  	v0 =	vld [tilespmem:s17+$0x20];
	[tilespmem:s16+$0x0] =	vst v6;
	v6 =	vmov s19  }
0x15b: {  	[tilespmem:s16+$0x50] =	vst v3;
	v3 =	vld [tilespmem:s16+$0xE0]  }
0x15c: {  	[tilespmem:s16+$0x30] =	vst v1;
	v7 =	vld [tilespmem:s16+$0xC0]  }
0x15d: {  	v1 =	vld [tilespmem:s17+$0x30];
	[tilespmem:s16+$0x10] =	vst v4  }
0x15e: {  	[tilespmem:s16+$0x70] =	vst v2;
	v2 =	vld [tilespmem:s16+$0xA0]  }
0x15f: {  	v4 =	vld.idx.msk [tilespmem:v6+s4+$0x0], $0xffff  }
0x160: {  	v6 =	vld [tilespmem:s16+$0x90]  }
0x161: {  	v8 =	vld [tilespmem:s16+$0xB0]  }
0x162: {  	v9 =	vld [tilespmem:s16+$0xD0]  }
0x163: {  	v10 =	vld [tilespmem:s16+$0xF0];
	_ =	sdelay $0x1  }
0x164: {  	v5 =	vmul.f32 v5, v4;
	v6 =	vmul.f32 v6, v4  }
0x165: {  	v2 =	vmul.f32 v2, v4;
	v8 =	vmul.f32 v8, v4  }
0x166: {  	v11 =	vmov s8;
	[tilespmem:s16+$0x80] =	vst v5;
	v5 =	vmul.f32 v7, v4;
	v7 =	vmul.f32 v9, v4  }
0x167: {  	v9 =	vand.u32 $0xFFFFFFFC, v11;
	[tilespmem:s16+$0xA0] =	vst v2;
	v2 =	vmul.f32 v3, v4;
	v3 =	vmul.f32 v10, v4  }
0x168: {  	v4 =	vbroadcast v9, $0x0;
	[tilespmem:s16+$0xC0] =	vst v5  }
0x169: {  	[tilespmem:s16+$0xF0] =	vst v3  }
0x16a: {  	v3 =	vld [tilespmem:s17+$0xFFFFFF40];
	[tilespmem:s16+$0xE0] =	vst v2  }
0x16b: {  	v2 =	vld [tilespmem:s17+$0xFFFFFF50];
	[tilespmem:s16+$0x90] =	vst v6  }
0x16c: {  	v5 =	vld [tilespmem:s17+$0xFFFFFF60];
	[tilespmem:s16+$0xB0] =	vst v8  }
0x16d: {  	v6 =	vld [tilespmem:s17+$0xFFFFFF70];
	[tilespmem:s16+$0xD0] =	vst v7;
	s16 =	smov.u32 s17  }
0x16e: {  	v4 =	vld.idx.msk [tilespmem:v4+s4+$0x0], $0xffff  }
0x16f: {  	v7 =	vld [tilespmem:s17+$0xFFFFFF00]  }
0x170: {  	v8 =	vld [tilespmem:s17+$0xFFFFFF20]  }
0x171: {  	v9 =	vld [tilespmem:s17+$0xFFFFFF10]  }
0x172: {  	v10 =	vld [tilespmem:s17+$0xFFFFFF30];
	_ =	sdelay $0x1  }
0x173: {  	v6 =	vmul.f32 v6, v4;
	v7 =	vmul.f32 v7, v4  }
0x174: {  	s18 =	sadd.s32 $0x1, s8;
	v5 =	vmul.f32 v5, v4;
	v8 =	vmul.f32 v8, v4  }
0x175: {  	v2 =	vmul.f32 v2, v4;
	v9 =	vmul.f32 v9, v4;
	[tilespmem:s17+$0xFFFFFF70] =	vst v6;
	v6 =	vmov s18  }
0x176: {  	v3 =	vmul.f32 v3, v4;
	[tilespmem:s17+$0xFFFFFF00] =	vst v7;
	v7 =	vmul.f32 v10, v4;
	v4 =	vand.u32 $0xFFFFFFFD, v6  }
0x177: {  	[tilespmem:s17+$0xFFFFFF20] =	vst v8;
	v4 =	vbroadcast v4, $0x0  }
0x178: {  	[tilespmem:s17+$0xFFFFFF50] =	vst v2  }
0x179: {  	[tilespmem:s17+$0xFFFFFF40] =	vst v3;
	v2 =	vld [tilespmem:s17+$0xFFFFFFF0]  }
0x17a: {  	[tilespmem:s17+$0xFFFFFF60] =	vst v5;
	v3 =	vld [tilespmem:s17+$0xFFFFFFC0]  }
0x17b: {  	[tilespmem:s17+$0xFFFFFF30] =	vst v7;
	v5 =	vld [tilespmem:s17+$0xFFFFFFD0]  }
0x17c: {  	[tilespmem:s17+$0xFFFFFF10] =	vst v9;
	v6 =	vld [tilespmem:s17+$0xFFFFFF90]  }
0x17d: {  	v4 =	vld.idx.msk [tilespmem:v4+s4+$0x0], $0xffff  }
0x17e: {  	v7 =	vld [tilespmem:s17+$0xFFFFFF80]  }
0x17f: {  	v8 =	vld [tilespmem:s17+$0xFFFFFFA0]  }
0x180: {  	v9 =	vld [tilespmem:s17+$0xFFFFFFB0]  }
0x181: {  	v10 =	vld [tilespmem:s17+$0xFFFFFFE0];
	_ =	sdelay $0x1  }
0x182: {  	v6 =	vmul.f32 v6, v4;
	v7 =	vmul.f32 v7, v4  }
0x183: {  	s18 =	sadd.s32 $0x2, s8;
	v5 =	vmul.f32 v5, v4;
	v8 =	vmul.f32 v8, v4  }
0x184: {  	v3 =	vmul.f32 v3, v4;
	[tilespmem:s17+$0xFFFFFF90] =	vst v6;
	v6 =	vmul.f32 v9, v4;
	v9 =	vmov s18  }
0x185: {  	v2 =	vmul.f32 v2, v4;
	[tilespmem:s17+$0xFFFFFFA0] =	vst v8;
	v8 =	vmul.f32 v10, v4;
	v4 =	vand.u32 $0xFFFFFFFE, v9  }
0x186: {  	[tilespmem:s17+$0xFFFFFF80] =	vst v7;
	v4 =	vbroadcast v4, $0x0  }
0x187: {  	[tilespmem:s17+$0xFFFFFFB0] =	vst v6  }
0x188: {  	[tilespmem:s17+$0xFFFFFFC0] =	vst v3  }
0x189: {  	[tilespmem:s17+$0xFFFFFFD0] =	vst v5  }
.Ltmp1:
0x18a: {  	[tilespmem:s17+$0xFFFFFFF0] =	vst v2;
	v3 =	vld [tilespmem:s17+$0x40];
	(pc) =	sbr.rel @p0 .LBB2_5-.Ltmp1, $4  }
0x18b: {  	[tilespmem:s17+$0xFFFFFFE0] =	vst v8;
	v5 =	vld [tilespmem:s17+$0x60]  }
0x18c: {  	v2 =	vld.idx.msk [tilespmem:v4+s4+$0x0], $0xffff  }
0x18d: {  	v6 =	vld [tilespmem:s17+$0x0]  }
0x18e: {  	v4 =	vld [tilespmem:s17+$0x10]  }
0x18f: {  	_ =	sdelay $0x1  }
0x190: {  	v5 =	vmul.f32 v5, v2  }
0x191: {  	v7 =	vld [tilespmem:s16+$0x50];
	v3 =	vmul.f32 v3, v2  }
0x192: {  	v8 =	vld [tilespmem:s16+$0x70];
	v0 =	vmul.f32 v0, v2;
	[tilespmem:s16+$0x60] =	vst v5  }
0x193: {  	v48 =	vmul.f32 v1, v2;
	[tilespmem:s16+$0x40] =	vst v3  }
0x194: {  	s8 =	sadd.s32 $0x3, s8;
	v46 =	vmul.f32 v6, v2;
	[tilespmem:s16+$0x20] =	vst v0  }
0x195: {  	v50 =	vmov s8;
	v4 =	vmul.f32 v4, v2;
	[tilespmem:s16+$0x30] =	vst v48  }
0x196: {  	v47 =	vmul.f32 v7, v2;
	[tilespmem:s16+$0x0] =	vst v46  }
0x197: {  	v51 =	vmul.f32 v8, v2;
	[tilespmem:s16+$0x10] =	vst v4  }
0x198: {  	[tilespmem:s16+$0x50] =	vst v47  }
0x199: {  	v49 =	vld [tilespmem:s16+$0x80];
	[tilespmem:s16+$0x70] =	vst v51  }
0x19a: {  	v0 =	vld.idx.msk [tilespmem:v50+s4+$0x0], $0xffff  }
0x19b: {  	v52 =	vld [tilespmem:s16+$0xA0]  }
0x19c: {  	v53 =	vld [tilespmem:s16+$0xC0]  }
0x19d: {  	v54 =	vld [tilespmem:s16+$0xF0]  }
0x19e: {  	v55 =	vld [tilespmem:s16+$0xE0]  }
0x19f: {  	v56 =	vld [tilespmem:s16+$0x90];
	v1 =	vmul.f32 v49, v0  }
0x1a0: {  	v57 =	vld [tilespmem:s16+$0xB0];
	v2 =	vmul.f32 v52, v0  }
0x1a1: {  	v58 =	vld [tilespmem:s16+$0xD0];
	v59 =	vmul.f32 v53, v0;
	[tilespmem:s16+$0x80] =	vst v1  }
0x1a2: {  	v60 =	vmul.f32 v54, v0;
	[tilespmem:s16+$0xA0] =	vst v2  }
0x1a3: {  	v61 =	vmul.f32 v55, v0;
	[tilespmem:s16+$0xC0] =	vst v59  }
0x1a4: {  	v62 =	vmul.f32 v56, v0;
	[tilespmem:s16+$0xF0] =	vst v60  }
0x1a5: {  	v63 =	vmul.f32 v57, v0;
	[tilespmem:s16+$0xE0] =	vst v61  }
0x1a6: {  	s13 =	sadd.s32 $0x1, s13;
	v0 =	vmul.f32 v58, v0;
	[tilespmem:s16+$0x90] =	vst v62  }
0x1a7: {  	p0 =	sne.s32 s13, $0x4E;
	[tilespmem:s16+$0xB0] =	vst v63  }
.Ltmp2:
0x1a8: {  	[tilespmem:s16+$0xD0] =	vst v0;
	(pc) =	sbr.rel @p0 .LBB2_2-.Ltmp2, $4  }
0x1a9: {  	[spmem:s3] =	stream.indirect.scatter.add.f32 [tilespmem:s31], [sflag:$0x3], $0x80, s30, s26, $0xb8;
	[tilespmem:$0x1FA00] =	vst v63  }
0x1aa: {  	_ =	swait.ge [sflag:s21], $0x2000  }
0x1ab: {  	[sflag:s21] =	ssyncset.done $0x0  }
0x1ac: {  	[sflag:s21] =	ssyncadd.s32 $0xFFFFE000  }
0x1ad: {  	s13 =	simm.s32 $0x0;
	s8 =	rddreg [dreg:$0xb];
	s9 =	simm.s32 $0x7880  }
0x1ae: {  	[tilespmem:s9], [sflag:$0x3] =	stream.linear.gather [hbm4b:s8+s13], $0x10, $0x38;
	[tilespmem:$0x1FA00] =	vst v63  }
0x1af: {  	_ =	swait.ge [sflag:s21], $0x10  }
0x1b0: {  	[sflag:s21] =	ssyncset.done $0x0  }
0x1b1: {  	s19 =	simm.s32 $0x7900;
	s16 =	rddreg [dreg:$0xc];
	[sflag:s21] =	ssyncadd.s32 $0xFFFFFFF0  }
0x1b2: {  	[tilespmem:s19], [sflag:$0x3] =	stream.linear.gather [hbm4b:s16+s13], $0x10, $0x38;
	[tilespmem:$0x1FA00] =	vst v63  }
0x1b3: {  	_ =	swait.ge [sflag:s21], $0x10  }
0x1b4: {  	[sflag:s21] =	ssyncset.done $0x0  }
0x1b5: {  	s24 =	simm.s32 $0x10;
	[sflag:s21] =	ssyncadd.s32 $0xFFFFFFF0  }
0x1b6: {  	[tilespmem:s28], [sflag:$0x1] =	stream.indirect.gather [hbm4b:s2+s24], $0x80, s9, s24, $0xb8;
	[tilespmem:$0x1FA00] =	vst v63  }
0x1b7: {  	v0 =	vld [tilespmem:$0x7880]  }
0x1b8: {  	v1 =	vld [tilespmem:$0x7900];
	_ =	sdelay $0x6  }
0x1b9: {  	v0 =	vld.idx.msk [tilespmem:v0+s13+$0x0], $0xffff  }
0x1ba: {  	v2 =	vld.idx.msk [tilespmem:v1+s22+$0x0], $0xffff;
	_ =	sdelay $0x4  }
0x1bb: {  	v0 =	vadd.f32 v2, v0;
	_ =	sdelay $0x1  }
0x1bc: {  	v2 =	vmul.f32 $9.999999770e-03, v0;
	_ =	sdelay $0x1  }
0x1bd: {  	v0 =	vmax.f32 v0, v2  }
0x1be: {  	v0 =	vmul.f32 $1.442695020e+00, v0;
	_ =	sdelay $0x1  }
0x1bf: {  	(erf) = vpow2.f32 v0;
	_ =	sdelay $0x7  }
0x1c0: {  	v0 =	vmov s13  }
0x1c1: {  	v0 =	vand.u32 $0xFFFFFFFC, v0;
	v2 =	vpop (erf)  }
0x1c2: {  	v0 =	vbroadcast v0, $0x0;
	[tilespmem:$0x7980] =	vst v2  }
0x1c3: {  	[tilespmem:v1+s23+$0x0] =	vst.idx.add.f32.msk $0xffff, v2  }
0x1c4: {  	_ =	swait.ge [sflag:s0], $0x800  }
0x1c5: {  	[sflag:s0] =	ssyncset.done $0x0  }
0x1c6: {  	s8 =	simm.s32 $0x7B00;
	[sflag:s0] =	ssyncadd.s32 $0xFFFFF800  }
0x1c7: {  	v1 =	vld [tilespmem:s8+$0xFFFFFF70]  }
0x1c8: {  	v0 =	vld.idx.msk [tilespmem:v0+s4+$0x0], $0xffff  }
0x1c9: {  	v2 =	vld [tilespmem:s8+$0xFFFFFF00]  }
0x1ca: {  	v3 =	vld [tilespmem:s8+$0xFFFFFF20]  }
0x1cb: {  	v4 =	vld [tilespmem:s8+$0xFFFFFF50]  }
0x1cc: {  	v5 =	vld [tilespmem:s8+$0xFFFFFF40]  }
0x1cd: {  	v6 =	vld [tilespmem:s8+$0xFFFFFF60];
	v1 =	vmul.f32 v1, v0  }
0x1ce: {  	s17 =	simm.s32 $0x1;
	v7 =	vld [tilespmem:s8+$0xFFFFFF30];
	v2 =	vmul.f32 v2, v0  }
0x1cf: {  	v8 =	vld [tilespmem:s8+$0xFFFFFF10];
	v3 =	vmul.f32 v3, v0;
	[tilespmem:s8+$0xFFFFFF70] =	vst v1;
	v1 =	vmov s17  }
0x1d0: {  	v4 =	vmul.f32 v4, v0;
	[tilespmem:s8+$0xFFFFFF00] =	vst v2;
	v1 =	vand.u32 $0xFFFFFFFD, v1  }
0x1d1: {  	v2 =	vmul.f32 v5, v0;
	[tilespmem:s8+$0xFFFFFF20] =	vst v3;
	v1 =	vbroadcast v1, $0x0  }
0x1d2: {  	v3 =	vmul.f32 v6, v0;
	[tilespmem:s8+$0xFFFFFF50] =	vst v4  }
0x1d3: {  	v4 =	vmul.f32 v7, v0;
	[tilespmem:s8+$0xFFFFFF40] =	vst v2  }
0x1d4: {  	v0 =	vmul.f32 v8, v0;
	[tilespmem:s8+$0xFFFFFF60] =	vst v3  }
0x1d5: {  	[tilespmem:s8+$0xFFFFFF30] =	vst v4  }
0x1d6: {  	[tilespmem:s8+$0xFFFFFF10] =	vst v0;
	v0 =	vld [tilespmem:s8+$0xFFFFFF90]  }
0x1d7: {  	v2 =	vld.idx.msk [tilespmem:v1+s4+$0x0], $0xffff  }
0x1d8: {  	v1 =	vld [tilespmem:s8+$0xFFFFFFA0]  }
0x1d9: {  	v3 =	vld [tilespmem:s8+$0xFFFFFF80]  }
0x1da: {  	v4 =	vld [tilespmem:s8+$0xFFFFFFB0]  }
0x1db: {  	v5 =	vld [tilespmem:s8+$0xFFFFFFC0]  }
0x1dc: {  	v6 =	vld [tilespmem:s8+$0xFFFFFFD0];
	v0 =	vmul.f32 v0, v2  }
0x1dd: {  	s18 =	simm.s32 $0x2;
	v7 =	vld [tilespmem:s8+$0xFFFFFFF0];
	v1 =	vmul.f32 v1, v2  }
0x1de: {  	v8 =	vld [tilespmem:s8+$0xFFFFFFE0];
	v3 =	vmul.f32 v3, v2;
	[tilespmem:s8+$0xFFFFFF90] =	vst v0;
	v0 =	vmov s18  }
0x1df: {  	v4 =	vmul.f32 v4, v2;
	[tilespmem:s8+$0xFFFFFFA0] =	vst v1;
	v0 =	vand.u32 $0xFFFFFFFE, v0  }
0x1e0: {  	v1 =	vmul.f32 v5, v2;
	[tilespmem:s8+$0xFFFFFF80] =	vst v3;
	v5 =	vld [tilespmem:s8+$0x60];
	v9 =	vbroadcast v0, $0x0  }
0x1e1: {  	v3 =	vmul.f32 v6, v2;
	[tilespmem:s8+$0xFFFFFFB0] =	vst v4;
	v6 =	vld [tilespmem:s8+$0x0]  }
0x1e2: {  	v4 =	vmul.f32 v7, v2;
	v0 =	vld [tilespmem:s8+$0x20];
	[tilespmem:s8+$0xFFFFFFC0] =	vst v1  }
0x1e3: {  	v2 =	vmul.f32 v8, v2;
	v1 =	vld [tilespmem:s8+$0x30];
	[tilespmem:s8+$0xFFFFFFD0] =	vst v3  }
0x1e4: {  	[tilespmem:s8+$0xFFFFFFF0] =	vst v4;
	v3 =	vld [tilespmem:s8+$0x40]  }
0x1e5: {  	[tilespmem:s8+$0xFFFFFFE0] =	vst v2;
	v4 =	vld [tilespmem:s8+$0x10]  }
0x1e6: {  	s16 =	simm.s32 $0x7B00;
	s9 =	simm.s32 $0x4;
	v2 =	vld.idx.msk [tilespmem:v9+s4+$0x0], $0xffff  }
.LBB2_8:
0x1e7: {  	p0 =	slt.u32 s9, $0xC  }
0x1e8: {  	v7 =	vld [tilespmem:s8+$0x50];
	s16 =	sadd.s32 $0x200, s16;
	s17 =	smov.u32 s9;
	s9 =	sadd.s32 $0x4, s9  }
0x1e9: {  	v8 =	vld [tilespmem:s8+$0x70];
	_ =	sdelay $0x1  }
0x1ea: {  	v5 =	vmul.f32 v5, v2;
	v6 =	vmul.f32 v6, v2  }
0x1eb: {  	v3 =	vmul.f32 v3, v2;
	v4 =	vmul.f32 v4, v2  }
0x1ec: {  	v0 =	vmul.f32 v0, v2;
	v1 =	vmul.f32 v1, v2;
	[tilespmem:s8+$0x60] =	vst v5  }
0x1ed: {  	[tilespmem:s8+$0x40] =	vst v3;
	v3 =	vmul.f32 v7, v2;
	v2 =	vmul.f32 v8, v2  }
0x1ee: {  	s18 =	sadd.s32 $0x3, s13;
	s13 =	smov.u32 s17;
	[tilespmem:s8+$0x20] =	vst v0;
	v5 =	vld [tilespmem:s8+$0x80]  }
0x1ef: {  	v0 =	vld [tilespmem:s16+$0x20];
	[tilespmem:s8+$0x0] =	vst v6;
	v6 =	vmov s18  }
0x1f0: {  	[tilespmem:s8+$0x50] =	vst v3;
	v3 =	vld [tilespmem:s8+$0xE0]  }
0x1f1: {  	[tilespmem:s8+$0x30] =	vst v1;
	v7 =	vld [tilespmem:s8+$0xC0]  }
0x1f2: {  	v1 =	vld [tilespmem:s16+$0x30];
	[tilespmem:s8+$0x10] =	vst v4  }
0x1f3: {  	[tilespmem:s8+$0x70] =	vst v2;
	v2 =	vld [tilespmem:s8+$0xA0]  }
0x1f4: {  	v4 =	vld.idx.msk [tilespmem:v6+s4+$0x0], $0xffff  }
0x1f5: {  	v6 =	vld [tilespmem:s8+$0x90]  }
0x1f6: {  	v8 =	vld [tilespmem:s8+$0xB0]  }
0x1f7: {  	v9 =	vld [tilespmem:s8+$0xD0]  }
0x1f8: {  	v10 =	vld [tilespmem:s8+$0xF0];
	_ =	sdelay $0x1  }
0x1f9: {  	v5 =	vmul.f32 v5, v4;
	v6 =	vmul.f32 v6, v4  }
0x1fa: {  	v2 =	vmul.f32 v2, v4;
	v8 =	vmul.f32 v8, v4  }
0x1fb: {  	v11 =	vmov s13;
	[tilespmem:s8+$0x80] =	vst v5;
	v5 =	vmul.f32 v7, v4;
	v7 =	vmul.f32 v9, v4  }
0x1fc: {  	v9 =	vand.u32 $0xFFFFFFFC, v11;
	[tilespmem:s8+$0xA0] =	vst v2;
	v2 =	vmul.f32 v3, v4;
	v3 =	vmul.f32 v10, v4  }
0x1fd: {  	v4 =	vbroadcast v9, $0x0;
	[tilespmem:s8+$0xC0] =	vst v5  }
0x1fe: {  	[tilespmem:s8+$0xF0] =	vst v3  }
0x1ff: {  	v3 =	vld [tilespmem:s16+$0xFFFFFF40];
	[tilespmem:s8+$0xE0] =	vst v2  }
0x200: {  	v2 =	vld [tilespmem:s16+$0xFFFFFF50];
	[tilespmem:s8+$0x90] =	vst v6  }
0x201: {  	v5 =	vld [tilespmem:s16+$0xFFFFFF60];
	[tilespmem:s8+$0xB0] =	vst v8  }
0x202: {  	v6 =	vld [tilespmem:s16+$0xFFFFFF70];
	[tilespmem:s8+$0xD0] =	vst v7;
	s8 =	smov.u32 s16  }
0x203: {  	v4 =	vld.idx.msk [tilespmem:v4+s4+$0x0], $0xffff  }
0x204: {  	v7 =	vld [tilespmem:s16+$0xFFFFFF00]  }
0x205: {  	v8 =	vld [tilespmem:s16+$0xFFFFFF20]  }
0x206: {  	v9 =	vld [tilespmem:s16+$0xFFFFFF10]  }
0x207: {  	v10 =	vld [tilespmem:s16+$0xFFFFFF30];
	_ =	sdelay $0x1  }
0x208: {  	v6 =	vmul.f32 v6, v4;
	v7 =	vmul.f32 v7, v4  }
0x209: {  	s17 =	sadd.s32 $0x1, s13;
	v5 =	vmul.f32 v5, v4;
	v8 =	vmul.f32 v8, v4  }
0x20a: {  	v2 =	vmul.f32 v2, v4;
	v9 =	vmul.f32 v9, v4;
	[tilespmem:s16+$0xFFFFFF70] =	vst v6;
	v6 =	vmov s17  }
0x20b: {  	v3 =	vmul.f32 v3, v4;
	[tilespmem:s16+$0xFFFFFF00] =	vst v7;
	v7 =	vmul.f32 v10, v4;
	v4 =	vand.u32 $0xFFFFFFFD, v6  }
0x20c: {  	[tilespmem:s16+$0xFFFFFF20] =	vst v8;
	v4 =	vbroadcast v4, $0x0  }
0x20d: {  	[tilespmem:s16+$0xFFFFFF50] =	vst v2  }
0x20e: {  	[tilespmem:s16+$0xFFFFFF40] =	vst v3;
	v2 =	vld [tilespmem:s16+$0xFFFFFFF0]  }
0x20f: {  	[tilespmem:s16+$0xFFFFFF60] =	vst v5;
	v3 =	vld [tilespmem:s16+$0xFFFFFFC0]  }
0x210: {  	[tilespmem:s16+$0xFFFFFF30] =	vst v7;
	v5 =	vld [tilespmem:s16+$0xFFFFFFD0]  }
0x211: {  	[tilespmem:s16+$0xFFFFFF10] =	vst v9;
	v6 =	vld [tilespmem:s16+$0xFFFFFF90]  }
0x212: {  	v4 =	vld.idx.msk [tilespmem:v4+s4+$0x0], $0xffff  }
0x213: {  	v7 =	vld [tilespmem:s16+$0xFFFFFF80]  }
0x214: {  	v8 =	vld [tilespmem:s16+$0xFFFFFFA0]  }
0x215: {  	v9 =	vld [tilespmem:s16+$0xFFFFFFB0]  }
0x216: {  	v10 =	vld [tilespmem:s16+$0xFFFFFFE0];
	_ =	sdelay $0x1  }
0x217: {  	v6 =	vmul.f32 v6, v4;
	v7 =	vmul.f32 v7, v4  }
0x218: {  	s17 =	sadd.s32 $0x2, s13;
	v5 =	vmul.f32 v5, v4;
	v8 =	vmul.f32 v8, v4  }
0x219: {  	v3 =	vmul.f32 v3, v4;
	[tilespmem:s16+$0xFFFFFF90] =	vst v6;
	v6 =	vmul.f32 v9, v4;
	v9 =	vmov s17  }
0x21a: {  	v2 =	vmul.f32 v2, v4;
	[tilespmem:s16+$0xFFFFFFA0] =	vst v8;
	v8 =	vmul.f32 v10, v4;
	v4 =	vand.u32 $0xFFFFFFFE, v9  }
0x21b: {  	[tilespmem:s16+$0xFFFFFF80] =	vst v7;
	v4 =	vbroadcast v4, $0x0  }
0x21c: {  	[tilespmem:s16+$0xFFFFFFB0] =	vst v6  }
0x21d: {  	[tilespmem:s16+$0xFFFFFFC0] =	vst v3  }
0x21e: {  	[tilespmem:s16+$0xFFFFFFD0] =	vst v5  }
.Ltmp3:
0x21f: {  	[tilespmem:s16+$0xFFFFFFF0] =	vst v2;
	v3 =	vld [tilespmem:s16+$0x40];
	(pc) =	sbr.rel @p0 .LBB2_8-.Ltmp3, $4  }
0x220: {  	[tilespmem:s16+$0xFFFFFFE0] =	vst v8;
	v5 =	vld [tilespmem:s16+$0x60]  }
0x221: {  	v2 =	vld.idx.msk [tilespmem:v4+s4+$0x0], $0xffff  }
0x222: {  	v6 =	vld [tilespmem:s16+$0x0]  }
0x223: {  	v4 =	vld [tilespmem:s16+$0x10]  }
0x224: {  	_ =	sdelay $0x1  }
0x225: {  	v5 =	vmul.f32 v5, v2  }
0x226: {  	v7 =	vld [tilespmem:s8+$0x50];
	v3 =	vmul.f32 v3, v2  }
0x227: {  	v8 =	vld [tilespmem:s8+$0x70];
	v0 =	vmul.f32 v0, v2;
	[tilespmem:s8+$0x60] =	vst v5  }
0x228: {  	v48 =	vmul.f32 v1, v2;
	[tilespmem:s8+$0x40] =	vst v3  }
0x229: {  	s9 =	sadd.s32 $0x3, s13;
	v46 =	vmul.f32 v6, v2;
	[tilespmem:s8+$0x20] =	vst v0  }
0x22a: {  	v50 =	vmov s9;
	v4 =	vmul.f32 v4, v2;
	[tilespmem:s8+$0x30] =	vst v48  }
0x22b: {  	v47 =	vmul.f32 v7, v2;
	[tilespmem:s8+$0x0] =	vst v46  }
0x22c: {  	v51 =	vmul.f32 v8, v2;
	[tilespmem:s8+$0x10] =	vst v4  }
0x22d: {  	[tilespmem:s8+$0x50] =	vst v47  }
0x22e: {  	v49 =	vld [tilespmem:s8+$0x80];
	[tilespmem:s8+$0x70] =	vst v51  }
0x22f: {  	v0 =	vld.idx.msk [tilespmem:v50+s4+$0x0], $0xffff  }
0x230: {  	v52 =	vld [tilespmem:s8+$0xA0]  }
0x231: {  	v53 =	vld [tilespmem:s8+$0xC0]  }
0x232: {  	v54 =	vld [tilespmem:s8+$0xF0]  }
0x233: {  	v55 =	vld [tilespmem:s8+$0xE0]  }
0x234: {  	v56 =	vld [tilespmem:s8+$0x90];
	v1 =	vmul.f32 v49, v0  }
0x235: {  	v57 =	vld [tilespmem:s8+$0xB0];
	v2 =	vmul.f32 v52, v0  }
0x236: {  	v58 =	vld [tilespmem:s8+$0xD0];
	v59 =	vmul.f32 v53, v0;
	[tilespmem:s8+$0x80] =	vst v1  }
0x237: {  	v60 =	vmul.f32 v54, v0;
	[tilespmem:s8+$0xA0] =	vst v2  }
0x238: {  	v61 =	vmul.f32 v55, v0;
	[tilespmem:s8+$0xC0] =	vst v59  }
0x239: {  	v62 =	vmul.f32 v56, v0;
	[tilespmem:s8+$0xF0] =	vst v60  }
0x23a: {  	v63 =	vmul.f32 v57, v0;
	[tilespmem:s8+$0xE0] =	vst v61  }
0x23b: {  	v0 =	vmul.f32 v58, v0;
	[tilespmem:s8+$0x90] =	vst v62  }
0x23c: {  	[tilespmem:s8+$0xB0] =	vst v63  }
0x23d: {  	[tilespmem:s8+$0xD0] =	vst v0  }
0x23e: {  	[spmem:s3] =	stream.indirect.scatter.add.f32 [tilespmem:s28], [sflag:$0x3], $0x80, s19, s24, $0xb8;
	[tilespmem:$0x1FA00] =	vst v63  }
0x23f: {  	_ =	swait.ge [sflag:s21], $0x800  }
0x240: {  	s18 =	simm.s32 $0x80;
	[sflag:s21] =	ssyncset.done $0x0  }
0x241: {  	s19 =	simm.s32 $0x400;
	s17 =	rddreg [dreg:$0xd];
	[sflag:s21] =	ssyncadd.s32 $0xFFFFF800  }
0x242: {  	[hbm4b:s17+s18] =	stream.strided.scatter [tilespmem:s23], [sflag:$0x3], $0x2780, s19, s18, $0x38;
	[tilespmem:$0x1FA00] =	vst v63  }
0x243: {  	_ =	swait.ge [sflag:s21], $0x2780  }
0x244: {  	[sflag:s21] =	ssyncset.done $0x0  }
0x245: {  	s10 =	sadd.s32 $0x1, s10;
	[sflag:s21] =	ssyncadd.s32 $0xFFFFD880  }
0x246: {  	p0 =	sne.s32 s10, s20;
	[bflag:$0x0] =	sbarrier.arrive $0xFFFF  }
.Ltmp4:
0x247: {  	s24 =	rddreg [dreg:$0xe];
	(pc) =	sbr.rel @p0 .LBB2_1-.Ltmp4, $4  }
0x248: {  	[hbm:s24], [sflag:s11] =	dma.local [spmem:s12], $0x2800  }
0x249: {  	_ =	swait.ge [sflag:s21], $0x2800  }
0x24a: {  	[sflag:s21] =	ssyncset.done $0x0  }
0x24b: {  	[sflag:s21] =	ssyncadd.s32 $0xFFFFD800  }
0x24c: {  	_ =	sfence.sel $0x180000  }
0x24d: {  	[bflag:$0x0] =	sbarrier.arrive $0xFFFF  }
0x24e: {  	_ =	strace $0x90000047  }
0x24f: {  	s0 =	stileid.u32;
	[bflag:$0x2] =	sbarrier.arrive $0xFFFF  }
0x250: {  	p0 =	sne.s32 s0, $0x0;
	s0 =	rddreg [dreg:$0x3]  }
0x251: {  	s0 =	sadd.s32 @!p0 $0x100000, s0  }
0x252: {  	[sflag:s0] =	ssyncadd.tile.s32 @!p0 $0x1;
	_ =	shalt  }
.Lfunc_end2:
_tile_overlayer_lowered:
.L_overlay_start_2:
0x253: {  	(tag) =	ssettag $0x2  }
0x254: {  	s0 =	rddreg [dreg:$0x0];
	s2 =	stileid.u32  }
0x255: {  	s1 =	rddreg [dreg:$0x1];
	p0 =	sne.s32 s2, $0x0  }
0x256: {  	s3 =	rddreg [dreg:$0x2];
	[bflag:$0x3] =	sbarrier.arrive $0xFFFF;
	s2 =	simm.s32 @!p0 $0x1C03  }
0x257: {  	[timem:s3], [sflag:s2] =	dma.local @!p0 [hbm:s0], s1  }
0x258: {  	s0 =	simm.s32 @!p0 $0x3  }
0x259: {  	_ =	swait.ge @!p0 [sflag:s0], s1  }
0x25a: {  	s1 =	ssub.s32 @!p0 $0x0, s1;
	[sflag:s0] =	ssyncset.done @!p0 $0x0  }
0x25b: {  	[sflag:s0] =	ssyncadd.s32 @!p0 s1  }
0x25c: {  	[bflag:$0x3] =	sbarrier.arrive $0xFFFF  }
0x25d: {  	_ =	shalt  }

</sc_bundles>
